<compile_context>
chip_gen: v7x
topology: tpu7x:2x2x1
jax: 0.10.2.dev20260603
libtpu: 0.0.44.dev20260713+nightly
codegen_flags: <defaults>
</compile_context>

<pallas_src>
import functools

import jax
import jax.numpy as jnp
from jax import lax
from jax.experimental import pallas as pl
from jax.experimental.pallas import tpu as pltpu
from jax.experimental.pallas import tpu_sc as plsc

F32 = jnp.float32
BF16 = jnp.bfloat16
BIG = 3.0e38


def _dot(a, b):
    return jax.lax.dot_general(a, b, (((1,), (0,)), ((), ())),
                               preferred_element_type=F32,
                               precision=jax.lax.Precision.DEFAULT)


def _dott(a, b):
    return jax.lax.dot_general(a, b, (((0,), (0,)), ((), ())),
                               preferred_element_type=F32,
                               precision=jax.lax.Precision.HIGHEST)


def _p1_body(K, Q, N, keys_ref, kt_ref, idx_ref, dist_ref):
    b = pl.program_id(0)
    qi = pl.program_id(1)
    kt = kt_ref[0]
    q = keys_ref[0, pl.ds(qi * Q, Q), :]
    sqq = jnp.sum(q * q, axis=1, keepdims=True)
    sqk = jnp.sum(kt * kt, axis=0, keepdims=True)
    gram = jax.lax.dot_general(q, kt, (((1,), (0,)), ((), ())),
                               preferred_element_type=F32,
                               precision=jax.lax.Precision.DEFAULT)
    d2v = jnp.maximum(sqq + sqk - 2.0 * gram, 0.0)
    iota = jax.lax.broadcasted_iota(jnp.int32, (Q, N), 1)

    m = jnp.min(d2v, axis=1, keepdims=True)
    for k in range(K):
        sel = jnp.min(jnp.where(d2v == m, iota, N), axis=1,
                      keepdims=True)
        idx_ref[0, :, k:k + 1] = sel + b * N
        dist_ref[0, :, k:k + 1] = jnp.sqrt(m + 1e-12)
        if k < K - 1:
            d2v = jnp.where(iota == sel, BIG, d2v)
            m = jnp.min(d2v, axis=1, keepdims=True)


def _make_sc_gather(n_rows, n_idx):
    info = plsc.get_sparse_core_info()
    nc, ns = info.num_cores, info.num_subcores
    nw = nc * ns
    per_w = n_idx // nw
    mesh = plsc.VectorSubcoreMesh(core_axis_name="c", subcore_axis_name="s")

    @functools.partial(
        pl.kernel, mesh=mesh,
        out_type=jax.ShapeDtypeStruct((n_idx * 8,), F32),
        compiler_params=pltpu.CompilerParams(needs_layout_passes=False),
        scratch_types=[
            pltpu.VMEM((n_rows * 8,), F32),
            pltpu.VMEM((per_w,), jnp.int32),
            pltpu.VMEM((per_w * 8,), F32),
        ],
    )
    def g(table_hbm, idx_hbm, out_hbm, table_v, idx_v, out_v):
        wid = lax.axis_index("s") * nc + lax.axis_index("c")
        base = wid * per_w
        pltpu.sync_copy(table_hbm, table_v)
        pltpu.sync_copy(idx_hbm.at[pl.ds(base, per_w)], idx_v)
        lane = lax.iota(jnp.int32, 16)

        def body(gi, carry):
            idx16 = idx_v[pl.ds(gi * 16, 16)]
            rowbase = idx16 * 8
            obase = lane * 8 + gi * 128
            for c in range(3):
                vals = plsc.load_gather(table_v, [rowbase + c])
                plsc.store_scatter(out_v, [obase + c], vals)
            return carry

        jax.lax.fori_loop(0, per_w // 16, body, 0)
        pltpu.sync_copy(out_v, out_hbm.at[pl.ds(base * 8, per_w * 8)])

    return g


def _build_cat(K, Q, ctr, nbv, dd):
    c3 = jnp.broadcast_to(jnp.reshape(ctr[:, 0:3], (Q, 1, 3)), (Q, K, 3))
    nb3 = nbv[:, :, 0:3]
    cat = jnp.concatenate(
        [c3, nb3, c3 - nb3, jnp.reshape(dd, (Q, K, 1)),
         jnp.zeros((Q, K, 6), F32)], axis=2)
    return jnp.reshape(cat, (Q * K, 16))


def _p2a_body(K, Q, nb_ref, ctr_ref, dist_ref, mom_ref):
    b = pl.program_id(0)
    qi = pl.program_id(1)
    flat = _build_cat(K, Q, ctr_ref[0], nb_ref[0], dist_ref[0])

    @pl.when(jnp.logical_and(b == 0, qi == 0))
    def _():
        mom_ref[...] = jnp.zeros_like(mom_ref)

    mom_ref[0:16, :] += _dott(flat, flat)
    mom_ref[16:17, :] += jnp.sum(flat, axis=0, keepdims=True)


def _p2b_body(K, Q, nb_ref, ctr_ref, dist_ref, feat_ref, w1_ref, b1_ref,
              w2_ref, b2_ref, sw1_ref, sw2_ref, m1w_ref, m1b_ref, o1g_ref,
              o1f_ref, o1b_ref, shw_ref, shb_ref,
              g2_ref, y1_ref, ys_ref, st1_ref, sts_ref):
    b = pl.program_id(0)
    qi = pl.program_id(1)
    flat = _build_cat(K, Q, ctr_ref[0], nb_ref[0], dist_ref[0])
    enc1 = jnp.maximum(_dot(flat, w1_ref[...]) + b1_ref[...], 0.0)
    enc2 = jnp.maximum(_dot(flat, w2_ref[...]) + b2_ref[...], 0.0)

    def pool(enc, sw):
        a = _dot(enc, sw)
        ar = jnp.reshape(a, (Q, K, 64))
        er = jnp.reshape(enc, (Q, K, 64))
        mx = jnp.max(ar, axis=1, keepdims=True)
        ex = jnp.exp(ar - mx)
        s = ex / jnp.sum(ex, axis=1, keepdims=True)
        return jnp.sum(s * er, axis=1)

    g1 = pool(enc1, sw1_ref[...])
    g2 = pool(enc2, sw2_ref[...])
    g2_ref[0] = g2
    f = feat_ref[0]
    x0 = _dot(f, m1w_ref[...]) + m1b_ref[...]
    x0 = jnp.where(x0 >= 0, x0, 0.2 * x0)
    y1 = _dot(g1, o1g_ref[...]) + _dot(x0, o1f_ref[...]) + o1b_ref[...]
    y1_ref[0] = y1
    ys = _dot(f, shw_ref[...]) + shb_ref[...]
    ys_ref[0] = ys

    @pl.when(jnp.logical_and(b == 0, qi == 0))
    def _():
        st1_ref[...] = jnp.zeros_like(st1_ref)
        sts_ref[...] = jnp.zeros_like(sts_ref)

    st1_ref[0:1, :] += jnp.sum(y1, axis=0, keepdims=True)
    st1_ref[1:2, :] += jnp.sum(y1 * y1, axis=0, keepdims=True)
    sts_ref[0:1, :] += jnp.sum(ys, axis=0, keepdims=True)
    sts_ref[1:2, :] += jnp.sum(ys * ys, axis=0, keepdims=True)


def _p3_body(y1_ref, g2_ref, o2g_ref, o2f_ref, o2b_ref, sc1_ref, sh1_ref,
             y2_ref, st2_ref):
    b = pl.program_id(0)
    qi = pl.program_id(1)
    x1 = jnp.maximum(y1_ref[0] * sc1_ref[...] + sh1_ref[...], 0.0)
    y2 = _dot(g2_ref[0], o2g_ref[...]) + _dot(x1, o2f_ref[...]) + o2b_ref[...]
    y2_ref[0] = y2

    @pl.when(jnp.logical_and(b == 0, qi == 0))
    def _():
        st2_ref[...] = jnp.zeros_like(st2_ref)

    st2_ref[0:1, :] += jnp.sum(y2, axis=0, keepdims=True)
    st2_ref[1:2, :] += jnp.sum(y2 * y2, axis=0, keepdims=True)


def _p4_body(y2_ref, ys_ref, m2w_ref, m2b_ref, sc2_ref, sh2_ref, scs_ref,
             shs_ref, out_ref):
    x2 = jnp.maximum(y2_ref[0] * sc2_ref[...] + sh2_ref[...], 0.0)
    o = _dot(x2, m2w_ref[...]) + m2b_ref[...] + ys_ref[0] * scs_ref[...] \
        + shs_ref[...]
    out_ref[0] = jnp.where(o >= 0, o, 0.01 * o)


def kernel(coords, features, mlp1_w, mlp1_b, lse1_w, lse1_b, lse1_g, lse1_bt,
           pool1_sw, pool1_sb, pool1_ow, pool1_ob, pool1_g, pool1_bt,
           lse2_w, lse2_b, lse2_g, lse2_bt, pool2_sw, pool2_sb, pool2_ow,
           pool2_ob, pool2_g, pool2_bt, mlp2_w, mlp2_b, short_w, short_b,
           short_g, short_bt):
    B, N, _ = coords.shape
    K = 16
    h = mlp1_w.shape[0]
    d_in = mlp1_w.shape[1]
    d_out = pool1_sw.shape[0]
    d_fin = mlp2_w.shape[0]
    eps = 1e-6

    coords_pad = jnp.concatenate(
        [coords, jnp.zeros((B, N, 8 - coords.shape[2]), F32)], axis=2)
    coords_t = jnp.transpose(coords_pad, (0, 2, 1))
    feat_t = jnp.transpose(features[:, :, :, 0], (0, 2, 1))

    Q1 = 512
    nb1 = N // Q1
    p1 = pl.pallas_call(
        functools.partial(_p1_body, K, Q1, N),
        grid=(B, nb1),
        in_specs=[
            pl.BlockSpec((1, N, 8), lambda b, q: (b, 0, 0)),
            pl.BlockSpec((1, 8, N), lambda b, q: (b, 0, 0)),
        ],
        out_specs=[
            pl.BlockSpec((1, Q1, K), lambda b, q: (b, q, 0)),
            pl.BlockSpec((1, Q1, K), lambda b, q: (b, q, 0)),
        ],
        out_shape=[
            jax.ShapeDtypeStruct((B, N, K), jnp.int32),
            jax.ShapeDtypeStruct((B, N, K), F32),
        ],
    )
    idx, dist = p1(coords_pad, coords_t)

    table = jnp.reshape(coords_pad, (B * N * 8,))
    gfn = _make_sc_gather(B * N, B * N * K)
    nb_flat = gfn(table, jnp.reshape(idx, (B * N * K,)))
    nbg = jnp.reshape(nb_flat, (B, N, K, 8))

    Q2 = 512
    nb2 = N // Q2
    cst = lambda b, q: (0, 0)
    p2a = pl.pallas_call(
        functools.partial(_p2a_body, K, Q2),
        grid=(B, nb2),
        in_specs=[
            pl.BlockSpec((1, Q2, K, 8), lambda b, q: (b, q, 0, 0)),
            pl.BlockSpec((1, Q2, 8), lambda b, q: (b, q, 0)),
            pl.BlockSpec((1, Q2, K), lambda b, q: (b, q, 0)),
        ],
        out_specs=[pl.BlockSpec((24, 16), cst)],
        out_shape=[jax.ShapeDtypeStruct((24, 16), F32)],
    )
    (mom,) = p2a(nbg, coords_pad, dist)

    M = B * N * K
    mu = mom[16, 0:10] / M
    m2 = mom[0:10, 0:10] / M
    cc = m2 - jnp.outer(mu, mu)

    def fold(w, bb, g, bt):
        mean = w @ mu + bb
        var = jnp.sum((w @ cc) * w, axis=1)
        sc = g / jnp.sqrt(var + eps)
        weff = jnp.zeros((16, h), F32).at[0:10, :].set((w * sc[:, None]).T)
        beff = (bb - mean) * sc + bt
        return weff, beff[None, :]

    w1eff, b1eff = fold(lse1_w, lse1_b, lse1_g, lse1_bt)
    w2eff, b2eff = fold(lse2_w, lse2_b, lse2_g, lse2_bt)

    p2b = pl.pallas_call(
        functools.partial(_p2b_body, K, Q2),
        grid=(B, nb2),
        in_specs=[
            pl.BlockSpec((1, Q2, K, 8), lambda b, q: (b, q, 0, 0)),
            pl.BlockSpec((1, Q2, 8), lambda b, q: (b, q, 0)),
            pl.BlockSpec((1, Q2, K), lambda b, q: (b, q, 0)),
            pl.BlockSpec((1, Q2, d_in), lambda b, q: (b, q, 0)),
            pl.BlockSpec((16, h), cst), pl.BlockSpec((1, h), cst),
            pl.BlockSpec((16, h), cst), pl.BlockSpec((1, h), cst),
            pl.BlockSpec((h, h), cst), pl.BlockSpec((h, h), cst),
            pl.BlockSpec((d_in, h), cst), pl.BlockSpec((1, h), cst),
            pl.BlockSpec((h, h), cst), pl.BlockSpec((h, h), cst),
            pl.BlockSpec((1, h), cst),
            pl.BlockSpec((d_in, d_fin), cst), pl.BlockSpec((1, d_fin), cst),
        ],
        out_specs=[
            pl.BlockSpec((1, Q2, h), lambda b, q: (b, q, 0)),
            pl.BlockSpec((1, Q2, h), lambda b, q: (b, q, 0)),
            pl.BlockSpec((1, Q2, d_fin), lambda b, q: (b, q, 0)),
            pl.BlockSpec((8, h), cst),
            pl.BlockSpec((8, d_fin), cst),
        ],
        out_shape=[
            jax.ShapeDtypeStruct((B, N, h), F32),
            jax.ShapeDtypeStruct((B, N, h), F32),
            jax.ShapeDtypeStruct((B, N, d_fin), F32),
            jax.ShapeDtypeStruct((8, h), F32),
            jax.ShapeDtypeStruct((8, d_fin), F32),
        ],
    )
    g2, y1, ys, st1, sts = p2b(
        nbg, coords_pad, dist, feat_t,
        w1eff, b1eff, w2eff, b2eff,
        pool1_sw[0:h, 0:h].T, pool2_sw[0:h, 0:h].T,
        mlp1_w.T, mlp1_b[None, :],
        pool1_ow[:, 0:h].T, pool1_ow[:, h:].T, pool1_ob[None, :],
        short_w.T, short_b[None, :])

    def bnstats(st, g, bt, cnt):
        mean = st[0] / cnt
        var = st[1] / cnt - mean * mean
        sc = g / jnp.sqrt(var + eps)
        return sc[None, :], (bt - mean * sc)[None, :]

    sc1, sh1 = bnstats(st1, pool1_g, pool1_bt, B * N)
    scs, shs = bnstats(sts, short_g, short_bt, B * N)

    Q3 = 2048
    nb3 = N // Q3
    p3 = pl.pallas_call(
        _p3_body,
        grid=(B, nb3),
        in_specs=[
            pl.BlockSpec((1, Q3, h), lambda b, q: (b, q, 0)),
            pl.BlockSpec((1, Q3, h), lambda b, q: (b, q, 0)),
            pl.BlockSpec((h, d_out), cst), pl.BlockSpec((h, d_out), cst),
            pl.BlockSpec((1, d_out), cst),
            pl.BlockSpec((1, h), cst), pl.BlockSpec((1, h), cst),
        ],
        out_specs=[
            pl.BlockSpec((1, Q3, d_out), lambda b, q: (b, q, 0)),
            pl.BlockSpec((8, d_out), cst),
        ],
        out_shape=[
            jax.ShapeDtypeStruct((B, N, d_out), F32),
            jax.ShapeDtypeStruct((8, d_out), F32),
        ],
    )
    y2, st2 = p3(y1, g2, pool2_ow[:, 0:h].T, pool2_ow[:, h:].T,
                 pool2_ob[None, :], sc1, sh1)

    sc2, sh2 = bnstats(st2, pool2_g, pool2_bt, B * N)

    p4 = pl.pallas_call(
        _p4_body,
        grid=(B, nb3),
        in_specs=[
            pl.BlockSpec((1, Q3, d_out), lambda b, q: (b, q, 0)),
            pl.BlockSpec((1, Q3, d_fin), lambda b, q: (b, q, 0)),
            pl.BlockSpec((d_out, d_fin), cst), pl.BlockSpec((1, d_fin), cst),
            pl.BlockSpec((1, d_out), cst), pl.BlockSpec((1, d_out), cst),
            pl.BlockSpec((1, d_fin), cst), pl.BlockSpec((1, d_fin), cst),
        ],
        out_specs=[pl.BlockSpec((1, Q3, d_fin), lambda b, q: (b, q, 0))],
        out_shape=[jax.ShapeDtypeStruct((B, N, d_fin), F32)],
    )
    (out,) = p4(y2, ys, mlp2_w.T, mlp2_b[None, :], sc2, sh2, scs, shs)

    return jnp.transpose(out, (0, 2, 1))[:, :, :, None]

# --- scband reference (transcript-rebuilt; emitter-appended) ---
"""Pipeline reference for scband-local-feature-aggregation-43696997269972 (READ-ONLY COPY).

The authoritative reference and input builder live on the scoring server;
editing this copy changes nothing except your own understanding.
"""

import jax, jax.numpy as jnp
import numpy as np


def conv1x1(x, w, b):
    return jnp.einsum('oi,bink->bonk', w, x) + b[None, :, None, None]


def batchnorm(x, gamma, beta, eps=1e-6):
    mean = jnp.mean(x, axis=(0, 2, 3), keepdims=True)
    var = jnp.var(x, axis=(0, 2, 3), keepdims=True)
    xh = (x - mean) / jnp.sqrt(var + eps)
    return xh * gamma[None, :, None, None] + beta[None, :, None, None]


def leaky_relu(x, slope):
    return jnp.where(x >= 0, x, slope * x)


def knn(coords, k):
    sq = jnp.sum(coords * coords, axis=-1)
    d2 = sq[:, :, None] + sq[:, None, :] - 2.0 * jnp.einsum('bnd,bmd->bnm', coords, coords)
    dist = jnp.sqrt(jnp.maximum(d2, 0.0) + 1e-12)
    neg, idx = jax.lax.top_k(-dist, k)
    return idx, -neg


def lse(coords, features, idx, dist, w, b, gamma, beta):
    B, N, K = idx.shape
    coords_t = jnp.transpose(coords, (0, 2, 1))
    bidx = jnp.arange(B)[:, None, None, None]
    cidx = jnp.arange(3)[None, :, None, None]
    neighbors = coords_t[bidx, cidx, idx[:, None, :, :]]
    center = coords_t[:, :, :, None]
    rel = center - neighbors
    concat = jnp.concatenate([jnp.broadcast_to(center, (B, 3, N, K)), neighbors, rel, dist[:, None, :, :]], axis=1)
    enc = jax.nn.relu(batchnorm(conv1x1(concat, w, b), gamma, beta))
    feat = jnp.broadcast_to(features, (B, features.shape[1], N, K))
    return jnp.concatenate([enc, feat], axis=1)


def attentive_pool(x, sw, sb, ow, ob, g, bt):
    scores = conv1x1(x, sw, sb)
    scores = jax.nn.softmax(scores, axis=-1)
    feat = jnp.sum(scores * x, axis=-1, keepdims=True)
    return jax.nn.relu(batchnorm(conv1x1(feat, ow, ob), g, bt))


def fwd_impl(coords, features, mlp1_w, mlp1_b, lse1_w, lse1_b, lse1_g, lse1_bt, pool1_sw, pool1_sb, pool1_ow, pool1_ob, pool1_g, pool1_bt, lse2_w, lse2_b, lse2_g, lse2_bt, pool2_sw, pool2_sb, pool2_ow, pool2_ob, pool2_g, pool2_bt, mlp2_w, mlp2_b, short_w, short_b, short_g, short_bt):
    K = 16
    idx, dist = knn(coords, K)
    x = leaky_relu(conv1x1(features, mlp1_w, mlp1_b), 0.2)
    x = lse(coords, x, idx, dist, lse1_w, lse1_b, lse1_g, lse1_bt)
    x = attentive_pool(x, pool1_sw, pool1_sb, pool1_ow, pool1_ob, pool1_g, pool1_bt)
    x = lse(coords, x, idx, dist, lse2_w, lse2_b, lse2_g, lse2_bt)
    x = attentive_pool(x, pool2_sw, pool2_sb, pool2_ow, pool2_ob, pool2_g, pool2_bt)
    out = conv1x1(x, mlp2_w, mlp2_b) + batchnorm(conv1x1(features, short_w, short_b), short_g, short_bt)
    return leaky_relu(out, 0.01)


def setup_inputs(seed: int = 0):
    key = jax.random.key(seed)
    B, N, d_in, d_out = 2, 4096, 64, 128
    h = d_out // 2
    ks = jax.random.split(key, 32)
    def p(k, shape):
        return jax.random.normal(k, shape, dtype=jnp.float32) * 0.05
    inp = {}
    inp['coords'] = jax.random.normal(ks[0], (B, N, 3), dtype=jnp.float32)
    inp['features'] = jax.random.normal(ks[1], (B, d_in, N, 1), dtype=jnp.float32)
    inp['mlp1_w'] = p(ks[2], (h, d_in)); inp['mlp1_b'] = p(ks[3], (h,))
    inp['lse1_w'] = p(ks[4], (h, 10)); inp['lse1_b'] = p(ks[5], (h,))
    inp['lse1_g'] = jnp.ones((h,), jnp.float32); inp['lse1_bt'] = jnp.zeros((h,), jnp.float32)
    inp['pool1_sw'] = p(ks[6], (d_out, d_out)); inp['pool1_sb'] = p(ks[7], (d_out,))
    inp['pool1_ow'] = p(ks[8], (h, d_out)); inp['pool1_ob'] = p(ks[9], (h,))
    inp['pool1_g'] = jnp.ones((h,), jnp.float32); inp['pool1_bt'] = jnp.zeros((h,), jnp.float32)
    inp['lse2_w'] = p(ks[10], (h, 10)); inp['lse2_b'] = p(ks[11], (h,))
    inp['lse2_g'] = jnp.ones((h,), jnp.float32); inp['lse2_bt'] = jnp.zeros((h,), jnp.float32)
    inp['pool2_sw'] = p(ks[12], (d_out, d_out)); inp['pool2_sb'] = p(ks[13], (d_out,))
    inp['pool2_ow'] = p(ks[14], (d_out, d_out)); inp['pool2_ob'] = p(ks[15], (d_out,))
    inp['pool2_g'] = jnp.ones((d_out,), jnp.float32); inp['pool2_bt'] = jnp.zeros((d_out,), jnp.float32)
    inp['mlp2_w'] = p(ks[16], (2 * d_out, d_out)); inp['mlp2_b'] = p(ks[17], (2 * d_out,))
    inp['short_w'] = p(ks[18], (2 * d_out, d_in)); inp['short_b'] = p(ks[19], (2 * d_out,))
    inp['short_g'] = jnp.ones((2 * d_out,), jnp.float32); inp['short_bt'] = jnp.zeros((2 * d_out,), jnp.float32)
    return inp


def reference(coords, features, mlp1_w, mlp1_b, lse1_w, lse1_b, lse1_g, lse1_bt, pool1_sw, pool1_sb, pool1_ow, pool1_ob, pool1_g, pool1_bt, lse2_w, lse2_b, lse2_g, lse2_bt, pool2_sw, pool2_sb, pool2_ow, pool2_ob, pool2_g, pool2_bt, mlp2_w, mlp2_b, short_w, short_b, short_g, short_bt):
    return fwd_impl(coords, features, mlp1_w, mlp1_b, lse1_w, lse1_b, lse1_g, lse1_bt, pool1_sw, pool1_sb, pool1_ow, pool1_ob, pool1_g, pool1_bt, lse2_w, lse2_b, lse2_g, lse2_bt, pool2_sw, pool2_sb, pool2_ow, pool2_ob, pool2_g, pool2_bt, mlp2_w, mlp2_b, short_w, short_b, short_g, short_bt)

if __name__ == "__main__":
    import jax
    _d = setup_inputs()
    print(jax.jit(kernel)(*tuple(_d.values())))

</pallas_src>

<mosaic_0001>
#map = affine_map<(d0, d1) -> (0)>
module attributes {stable_mosaic.version = 14 : i64} {
  func.func @g(%arg0: i32, %arg1: i32, %arg2: memref<65536xf32, #tpu.memory_space<hbm>>, %arg3: memref<131072xi32, #tpu.memory_space<hbm>>, %arg4: memref<1048576xf32, #tpu.memory_space<hbm>>, %arg5: memref<65536xf32, #tpu.memory_space<vmem>>, %arg6: memref<4096xi32, #tpu.memory_space<vmem>>, %arg7: memref<32768xf32, #tpu.memory_space<vmem>>) attributes {dimension_semantics = [#tpu.dimension_semantics<core_parallel>, #tpu.dimension_semantics<subcore_parallel>], iteration_bounds = array<i64: 2, 16>, scalar_prefetch = 0 : i64, scratch_operands = 3 : i64, tpu.core_type = #tpu.core_type<sc_vector_subcore>, window_params = [{transform_indices = #map}, {transform_indices = #map}, {transform_indices = #map}]} {
    %mul3A = arith.constant 2 : i32
    %mul3A_0 = arith.muli %arg1, %mul3A : i32
    %add3A = arith.addi %mul3A_0, %arg0 : i32
    %mul3A_1 = arith.constant 4096 : i32
    %mul3A_2 = arith.muli %add3A, %mul3A_1 : i32
    "tpu.region"() ({
      %run_scoped3A = tpu.sem_alloc : memref<!tpu.dma_semaphore, #tpu.memory_space<semaphore_mem>>
      tpu.enqueue_dma source(%arg2 : memref<65536xf32, #tpu.memory_space<hbm>>) target(%arg5 : memref<65536xf32, #tpu.memory_space<vmem>>) target_semaphore(%run_scoped3A : memref<!tpu.dma_semaphore, #tpu.memory_space<semaphore_mem>>)
      tpu.wait_dma2 semaphore(%run_scoped3A : memref<!tpu.dma_semaphore, #tpu.memory_space<semaphore_mem>>) src(%arg2 : memref<65536xf32, #tpu.memory_space<hbm>>) dst(%arg5 : memref<65536xf32, #tpu.memory_space<vmem>>)
      tpu.yield
    }) : () -> ()
    "tpu.region"() ({
      %run_scoped3A = tpu.sem_alloc : memref<!tpu.dma_semaphore, #tpu.memory_space<semaphore_mem>>
      %dma_start3A = tpu.memref_slice %arg3[%mul3A_2] : memref<131072xi32, #tpu.memory_space<hbm>> -> memref<4096xi32, #tpu.memory_space<hbm>>
      %dma_start3A_10 = tpu.memref_slice %arg3[%mul3A_2] : memref<131072xi32, #tpu.memory_space<hbm>> -> memref<4096xi32, #tpu.memory_space<hbm>>
      tpu.enqueue_dma source(%dma_start3A_10 : memref<4096xi32, #tpu.memory_space<hbm>>) target(%arg6 : memref<4096xi32, #tpu.memory_space<vmem>>) target_semaphore(%run_scoped3A : memref<!tpu.dma_semaphore, #tpu.memory_space<semaphore_mem>>)
      %dma_wait3A = tpu.memref_slice %arg3[%mul3A_2] : memref<131072xi32, #tpu.memory_space<hbm>> -> memref<4096xi32, #tpu.memory_space<hbm>>
      %dma_wait3A_11 = tpu.memref_slice %arg3[%mul3A_2] : memref<131072xi32, #tpu.memory_space<hbm>> -> memref<4096xi32, #tpu.memory_space<hbm>>
      tpu.wait_dma2 semaphore(%run_scoped3A : memref<!tpu.dma_semaphore, #tpu.memory_space<semaphore_mem>>) src(%dma_wait3A_11 : memref<4096xi32, #tpu.memory_space<hbm>>) dst(%arg6 : memref<4096xi32, #tpu.memory_space<vmem>>)
      tpu.yield
    }) : () -> ()
    %iota3A = tpu.iota {dimensions = array<i32: 0>} : vector<16xi32>
    %scan3A = arith.constant 0 : i32
    %scan3A_3 = arith.constant 0 : i32
    %scan3A_4 = arith.constant 256 : i32
    %scan3A_5 = arith.addi %scan3A_3, %scan3A_4 : i32
    %scan3A_6 = arith.constant 1 : i32
    scf.for %scan3A_10 = %scan3A_3 to %scan3A_5 step %scan3A_6  : i32 {
      %mul3A_11 = arith.constant 16 : i32
      %mul3A_12 = arith.muli %scan3A_10, %mul3A_11 : i32
      %get3A = arith.index_cast %mul3A_12 : i32 to index
      %get3A_13 = tpu.vector_load %arg6[%get3A] {strides = array<i32>} : memref<4096xi32, #tpu.memory_space<vmem>>, vector<16xi32>,
      %mul3A_14 = arith.constant 8 : i32
      %mul3A_15 = vector.broadcast %mul3A_14 : i32 to vector<16xi32>
      %mul3A_16 = arith.muli %get3A_13, %mul3A_15 : vector<16xi32>
      %mul3A_17 = arith.constant 8 : i32
      %mul3A_18 = vector.broadcast %mul3A_17 : i32 to vector<16xi32>
      %mul3A_19 = arith.muli %iota3A, %mul3A_18 : vector<16xi32>
      %mul3A_20 = arith.constant 128 : i32
      %mul3A_21 = arith.muli %scan3A_10, %mul3A_20 : i32
      %add3A_22 = vector.broadcast %mul3A_21 : i32 to vector<16xi32>
      %add3A_23 = arith.addi %mul3A_19, %add3A_22 : vector<16xi32>
      %add3A_24 = arith.constant 0 : i32
      %add3A_25 = vector.broadcast %add3A_24 : i32 to vector<16xi32>
      %add3A_26 = arith.addi %mul3A_16, %add3A_25 : vector<16xi32>
      %gather3A = tpu.vector_load_idx %arg5[%add3A_26] : memref<65536xf32, #tpu.memory_space<vmem>>[vector<16xi32>], vector<16xf32>,
      %add3A_27 = arith.constant 0 : i32
      %add3A_28 = vector.broadcast %add3A_27 : i32 to vector<16xi32>
      %add3A_29 = arith.addi %add3A_23, %add3A_28 : vector<16xi32>
      tpu.vector_store_idx %arg7[%add3A_29], %gather3A : memref<32768xf32, #tpu.memory_space<vmem>>[vector<16xi32>], vector<16xf32>,
      %add3A_30 = arith.constant 1 : i32
      %add3A_31 = vector.broadcast %add3A_30 : i32 to vector<16xi32>
      %add3A_32 = arith.addi %mul3A_16, %add3A_31 : vector<16xi32>
      %gather3A_33 = tpu.vector_load_idx %arg5[%add3A_32] : memref<65536xf32, #tpu.memory_space<vmem>>[vector<16xi32>], vector<16xf32>,
      %add3A_34 = arith.constant 1 : i32
      %add3A_35 = vector.broadcast %add3A_34 : i32 to vector<16xi32>
      %add3A_36 = arith.addi %add3A_23, %add3A_35 : vector<16xi32>
      tpu.vector_store_idx %arg7[%add3A_36], %gather3A_33 : memref<32768xf32, #tpu.memory_space<vmem>>[vector<16xi32>], vector<16xf32>,
      %add3A_37 = arith.constant 2 : i32
      %add3A_38 = vector.broadcast %add3A_37 : i32 to vector<16xi32>
      %add3A_39 = arith.addi %mul3A_16, %add3A_38 : vector<16xi32>
      %gather3A_40 = tpu.vector_load_idx %arg5[%add3A_39] : memref<65536xf32, #tpu.memory_space<vmem>>[vector<16xi32>], vector<16xf32>,
      %add3A_41 = arith.constant 2 : i32
      %add3A_42 = vector.broadcast %add3A_41 : i32 to vector<16xi32>
      %add3A_43 = arith.addi %add3A_23, %add3A_42 : vector<16xi32>
      tpu.vector_store_idx %arg7[%add3A_43], %gather3A_40 : memref<32768xf32, #tpu.memory_space<vmem>>[vector<16xi32>], vector<16xf32>,
    }
    %scan3A_7 = arith.constant 256 : i32
    %mul3A_8 = arith.constant 8 : i32
    %mul3A_9 = arith.muli %mul3A_2, %mul3A_8 : i32
    "tpu.region"() ({
      %run_scoped3A = tpu.sem_alloc : memref<!tpu.dma_semaphore, #tpu.memory_space<semaphore_mem>>
      %dma_start3A = tpu.memref_slice %arg4[%mul3A_9] : memref<1048576xf32, #tpu.memory_space<hbm>> -> memref<32768xf32, #tpu.memory_space<hbm>>
      %dma_start3A_10 = tpu.memref_slice %arg4[%mul3A_9] : memref<1048576xf32, #tpu.memory_space<hbm>> -> memref<32768xf32, #tpu.memory_space<hbm>>
      tpu.enqueue_dma source(%arg7 : memref<32768xf32, #tpu.memory_space<vmem>>) target(%dma_start3A_10 : memref<32768xf32, #tpu.memory_space<hbm>>) target_semaphore(%run_scoped3A : memref<!tpu.dma_semaphore, #tpu.memory_space<semaphore_mem>>)
      %dma_wait3A = tpu.memref_slice %arg4[%mul3A_9] : memref<1048576xf32, #tpu.memory_space<hbm>> -> memref<32768xf32, #tpu.memory_space<hbm>>
      %dma_wait3A_11 = tpu.memref_slice %arg4[%mul3A_9] : memref<1048576xf32, #tpu.memory_space<hbm>> -> memref<32768xf32, #tpu.memory_space<hbm>>
      tpu.wait_dma2 semaphore(%run_scoped3A : memref<!tpu.dma_semaphore, #tpu.memory_space<semaphore_mem>>) src(%arg7 : memref<32768xf32, #tpu.memory_space<vmem>>) dst(%dma_wait3A_11 : memref<32768xf32, #tpu.memory_space<hbm>>)
      tpu.yield
    }) : () -> ()
    return
  }
}

module attributes {stable_mosaic.version = 14 : i64} {
  func.func @_p1_body(%arg0: i32, %arg1: i32, %arg2: memref<1x4096x8xf32, #tpu.memory_space<vmem>>, %arg3: memref<1x8x4096xf32, #tpu.memory_space<vmem>>, %arg4: memref<1x512x16xi32, #tpu.memory_space<vmem>>, %arg5: memref<1x512x16xf32, #tpu.memory_space<vmem>>) attributes {dimension_semantics = [#tpu.dimension_semantics<arbitrary>, #tpu.dimension_semantics<arbitrary>], iteration_bounds = array<i64: 2, 8>, scalar_prefetch = 0 : i64, scratch_operands = 0 : i64, tpu.core_type = #tpu.core_type<tc>, window_params = [{transform_indices = @transform_0, window_bounds = array<i64: 1, 4096, 8>}, {transform_indices = @transform_1, window_bounds = array<i64: 1, 8, 4096>}, {transform_indices = @transform_2, window_bounds = array<i64: 1, 512, 16>}, {transform_indices = @transform_3, window_bounds = array<i64: 1, 512, 16>}]} {
    %get3A = arith.constant 0 : index
    %get3A_0 = arith.constant 0 : index
    %get3A_1 = arith.constant 0 : index
    %get3A_2 = vector.load %arg3[%get3A, %get3A_0, %get3A_1] : memref<1x8x4096xf32, #tpu.memory_space<vmem>>, vector<1x8x4096xf32>
    %get3A_3 = vector.shape_cast %get3A_2 : vector<1x8x4096xf32> to vector<8x4096xf32>
    %mul3A = arith.constant 512 : i32
    %mul3A_4 = arith.muli %arg1, %mul3A : i32
    %get3A_5 = arith.constant 0 : index
    %get3A_6 = arith.index_cast %mul3A_4 : i32 to index
    %get3A_7 = arith.constant 0 : index
    %get3A_8 = vector.load %arg2[%get3A_5, %get3A_6, %get3A_7] : memref<1x4096x8xf32, #tpu.memory_space<vmem>>, vector<1x512x8xf32>
    %get3A_9 = vector.shape_cast %get3A_8 : vector<1x512x8xf32> to vector<512x8xf32>
    %mul3A_10 = arith.mulf %get3A_9, %get3A_9 : vector<512x8xf32>
    %reduce_sum3A = arith.constant dense<0.000000e+00> : vector<512xf32>
    %reduce_sum3A_11 = vector.multi_reduction <add>, %mul3A_10, %reduce_sum3A [1] : vector<512x8xf32> to vector<512xf32>
    %broadcast_in_dim3A = vector.shape_cast %reduce_sum3A_11 : vector<512xf32> to vector<512x1xf32>
    %mul3A_12 = arith.mulf %get3A_3, %get3A_3 : vector<8x4096xf32>
    %reduce_sum3A_13 = arith.constant dense<0.000000e+00> : vector<4096xf32>
    %reduce_sum3A_14 = vector.multi_reduction <add>, %mul3A_12, %reduce_sum3A_13 [0] : vector<8x4096xf32> to vector<4096xf32>
    %broadcast_in_dim3A_15 = vector.shape_cast %reduce_sum3A_14 : vector<4096xf32> to vector<1x4096xf32>
    %dot_general3A = arith.constant dense<0.000000e+00> : vector<512x4096xf32>
    %dot_general3A_16 = tpu.matmul %get3A_9, %get3A_3, %dot_general3A {dimension_numbers = #tpu.dot_dimension_numbers<[1], [0], [0], [1], [0, 0, 1, 1], [], []>, transpose_lhs_hint = false} : vector<512x8xf32>, vector<8x4096xf32>, vector<512x4096xf32> -> vector<512x4096xf32>
    %add3A = vector.broadcast %broadcast_in_dim3A : vector<512x1xf32> to vector<512x4096xf32>
    %add3A_17 = vector.broadcast %broadcast_in_dim3A_15 : vector<1x4096xf32> to vector<512x4096xf32>
    %add3A_18 = arith.addf %add3A, %add3A_17 : vector<512x4096xf32>
    %mul3A_19 = arith.constant 2.000000e+00 : f32
    %mul3A_20 = vector.broadcast %mul3A_19 : f32 to vector<512x4096xf32>
    %mul3A_21 = arith.mulf %mul3A_20, %dot_general3A_16 : vector<512x4096xf32>
    %sub3A = arith.subf %add3A_18, %mul3A_21 : vector<512x4096xf32>
    %max3A = arith.constant 0.000000e+00 : f32
    %max3A_22 = vector.broadcast %max3A : f32 to vector<512x4096xf32>
    %max3A_23 = arith.maximumf %sub3A, %max3A_22 : vector<512x4096xf32>
    %iota3A = tpu.iota {dimensions = array<i32: 1>} : vector<512x4096xi32>
    %reduce_min3A = arith.constant dense<0x7F800000> : vector<512xf32>
    %reduce_min3A_24 = vector.multi_reduction <minimumf>, %max3A_23, %reduce_min3A [1] : vector<512x4096xf32> to vector<512xf32>
    %broadcast_in_dim3A_25 = vector.shape_cast %reduce_min3A_24 : vector<512xf32> to vector<512x1xf32>
    %eq3A = vector.broadcast %broadcast_in_dim3A_25 : vector<512x1xf32> to vector<512x4096xf32>
    %eq3A_26 = arith.cmpf oeq, %max3A_23, %eq3A : vector<512x4096xf32>
    %jit3A = arith.constant 4096 : i32
    %broadcast_in_dim3A_27 = vector.broadcast %jit3A : i32 to vector<512x4096xi32>
    %select_n3A = arith.select %eq3A_26, %iota3A, %broadcast_in_dim3A_27 : vector<512x4096xi1>, vector<512x4096xi32>
    %reduce_min3A_28 = arith.constant dense<2147483647> : vector<512xi32>
    %reduce_min3A_29 = vector.multi_reduction <minsi>, %select_n3A, %reduce_min3A_28 [1] : vector<512x4096xi32> to vector<512xi32>
    %broadcast_in_dim3A_30 = vector.shape_cast %reduce_min3A_29 : vector<512xi32> to vector<512x1xi32>
    %mul3A_31 = arith.constant 4096 : i32
    %mul3A_32 = arith.muli %arg0, %mul3A_31 : i32
    %add3A_33 = vector.broadcast %mul3A_32 : i32 to vector<512x1xi32>
    %add3A_34 = arith.addi %broadcast_in_dim3A_30, %add3A_33 : vector<512x1xi32>
    %swap3A = arith.constant 0 : index
    %swap3A_35 = arith.constant 0 : index
    %swap3A_36 = arith.constant 0 : index
    %swap3A_37 = vector.load %arg4[%swap3A, %swap3A_35, %swap3A_36] : memref<1x512x16xi32, #tpu.memory_space<vmem>>, vector<1x512x1xi32>
    %swap3A_38 = vector.shape_cast %swap3A_37 : vector<1x512x1xi32> to vector<512x1xi32>
    %swap3A_39 = vector.shape_cast %add3A_34 : vector<512x1xi32> to vector<1x512x1xi32>
    tpu.vector_store %arg4[%swap3A, %swap3A_35, %swap3A_36], %swap3A_39 {strides = array<i32>} : memref<1x512x16xi32, #tpu.memory_space<vmem>>, vector<1x512x1xi32>,
    %add3A_40 = arith.constant 9.99999996E-13 : f32
    %add3A_41 = vector.broadcast %add3A_40 : f32 to vector<512x1xf32>
    %add3A_42 = arith.addf %broadcast_in_dim3A_25, %add3A_41 : vector<512x1xf32>
    %sqrt3A = math.sqrt %add3A_42 : vector<512x1xf32>
    %swap3A_43 = arith.constant 0 : index
    %swap3A_44 = arith.constant 0 : index
    %swap3A_45 = arith.constant 0 : index
    %swap3A_46 = vector.load %arg5[%swap3A_43, %swap3A_44, %swap3A_45] : memref<1x512x16xf32, #tpu.memory_space<vmem>>, vector<1x512x1xf32>
    %swap3A_47 = vector.shape_cast %swap3A_46 : vector<1x512x1xf32> to vector<512x1xf32>
    %swap3A_48 = vector.shape_cast %sqrt3A : vector<512x1xf32> to vector<1x512x1xf32>
    tpu.vector_store %arg5[%swap3A_43, %swap3A_44, %swap3A_45], %swap3A_48 {strides = array<i32>} : memref<1x512x16xf32, #tpu.memory_space<vmem>>, vector<1x512x1xf32>,
    %eq3A_49 = vector.broadcast %broadcast_in_dim3A_30 : vector<512x1xi32> to vector<512x4096xi32>
    %eq3A_50 = arith.cmpi eq, %iota3A, %eq3A_49 : vector<512x4096xi32>
    %jit3A_51 = arith.constant 3.000000e+38 : f32
    %broadcast_in_dim3A_52 = vector.broadcast %jit3A_51 : f32 to vector<512x4096xf32>
    %select_n3A_53 = arith.select %eq3A_50, %broadcast_in_dim3A_52, %max3A_23 : vector<512x4096xi1>, vector<512x4096xf32>
    %reduce_min3A_54 = arith.constant dense<0x7F800000> : vector<512xf32>
    %reduce_min3A_55 = vector.multi_reduction <minimumf>, %select_n3A_53, %reduce_min3A_54 [1] : vector<512x4096xf32> to vector<512xf32>
    %broadcast_in_dim3A_56 = vector.shape_cast %reduce_min3A_55 : vector<512xf32> to vector<512x1xf32>
    %eq3A_57 = vector.broadcast %broadcast_in_dim3A_56 : vector<512x1xf32> to vector<512x4096xf32>
    %eq3A_58 = arith.cmpf oeq, %select_n3A_53, %eq3A_57 : vector<512x4096xf32>
    %jit3A_59 = arith.constant 4096 : i32
    %broadcast_in_dim3A_60 = vector.broadcast %jit3A_59 : i32 to vector<512x4096xi32>
    %select_n3A_61 = arith.select %eq3A_58, %iota3A, %broadcast_in_dim3A_60 : vector<512x4096xi1>, vector<512x4096xi32>
    %reduce_min3A_62 = arith.constant dense<2147483647> : vector<512xi32>
    %reduce_min3A_63 = vector.multi_reduction <minsi>, %select_n3A_61, %reduce_min3A_62 [1] : vector<512x4096xi32> to vector<512xi32>
    %broadcast_in_dim3A_64 = vector.shape_cast %reduce_min3A_63 : vector<512xi32> to vector<512x1xi32>
    %mul3A_65 = arith.constant 4096 : i32
    %mul3A_66 = arith.muli %arg0, %mul3A_65 : i32
    %add3A_67 = vector.broadcast %mul3A_66 : i32 to vector<512x1xi32>
    %add3A_68 = arith.addi %broadcast_in_dim3A_64, %add3A_67 : vector<512x1xi32>
    %swap3A_69 = arith.constant 0 : index
    %swap3A_70 = arith.constant 0 : index
    %swap3A_71 = arith.constant 1 : index
    %swap3A_72 = vector.load %arg4[%swap3A_69, %swap3A_70, %swap3A_71] : memref<1x512x16xi32, #tpu.memory_space<vmem>>, vector<1x512x1xi32>
    %swap3A_73 = vector.shape_cast %swap3A_72 : vector<1x512x1xi32> to vector<512x1xi32>
    %swap3A_74 = vector.shape_cast %add3A_68 : vector<512x1xi32> to vector<1x512x1xi32>
    tpu.vector_store %arg4[%swap3A_69, %swap3A_70, %swap3A_71], %swap3A_74 {strides = array<i32>} : memref<1x512x16xi32, #tpu.memory_space<vmem>>, vector<1x512x1xi32>,
    %add3A_75 = arith.constant 9.99999996E-13 : f32
    %add3A_76 = vector.broadcast %add3A_75 : f32 to vector<512x1xf32>
    %add3A_77 = arith.addf %broadcast_in_dim3A_56, %add3A_76 : vector<512x1xf32>
    %sqrt3A_78 = math.sqrt %add3A_77 : vector<512x1xf32>
    %swap3A_79 = arith.constant 0 : index
    %swap3A_80 = arith.constant 0 : index
    %swap3A_81 = arith.constant 1 : index
    %swap3A_82 = vector.load %arg5[%swap3A_79, %swap3A_80, %swap3A_81] : memref<1x512x16xf32, #tpu.memory_space<vmem>>, vector<1x512x1xf32>
    %swap3A_83 = vector.shape_cast %swap3A_82 : vector<1x512x1xf32> to vector<512x1xf32>
    %swap3A_84 = vector.shape_cast %sqrt3A_78 : vector<512x1xf32> to vector<1x512x1xf32>
    tpu.vector_store %arg5[%swap3A_79, %swap3A_80, %swap3A_81], %swap3A_84 {strides = array<i32>} : memref<1x512x16xf32, #tpu.memory_space<vmem>>, vector<1x512x1xf32>,
    %eq3A_85 = vector.broadcast %broadcast_in_dim3A_64 : vector<512x1xi32> to vector<512x4096xi32>
    %eq3A_86 = arith.cmpi eq, %iota3A, %eq3A_85 : vector<512x4096xi32>
    %jit3A_87 = arith.constant 3.000000e+38 : f32
    %broadcast_in_dim3A_88 = vector.broadcast %jit3A_87 : f32 to vector<512x4096xf32>
    %select_n3A_89 = arith.select %eq3A_86, %broadcast_in_dim3A_88, %select_n3A_53 : vector<512x4096xi1>, vector<512x4096xf32>
    %reduce_min3A_90 = arith.constant dense<0x7F800000> : vector<512xf32>
    %reduce_min3A_91 = vector.multi_reduction <minimumf>, %select_n3A_89, %reduce_min3A_90 [1] : vector<512x4096xf32> to vector<512xf32>
    %broadcast_in_dim3A_92 = vector.shape_cast %reduce_min3A_91 : vector<512xf32> to vector<512x1xf32>
    %eq3A_93 = vector.broadcast %broadcast_in_dim3A_92 : vector<512x1xf32> to vector<512x4096xf32>
    %eq3A_94 = arith.cmpf oeq, %select_n3A_89, %eq3A_93 : vector<512x4096xf32>
    %jit3A_95 = arith.constant 4096 : i32
    %broadcast_in_dim3A_96 = vector.broadcast %jit3A_95 : i32 to vector<512x4096xi32>
    %select_n3A_97 = arith.select %eq3A_94, %iota3A, %broadcast_in_dim3A_96 : vector<512x4096xi1>, vector<512x4096xi32>
    %reduce_min3A_98 = arith.constant dense<2147483647> : vector<512xi32>
    %reduce_min3A_99 = vector.multi_reduction <minsi>, %select_n3A_97, %reduce_min3A_98 [1] : vector<512x4096xi32> to vector<512xi32>
    %broadcast_in_dim3A_100 = vector.shape_cast %reduce_min3A_99 : vector<512xi32> to vector<512x1xi32>
    %mul3A_101 = arith.constant 4096 : i32
    %mul3A_102 = arith.muli %arg0, %mul3A_101 : i32
    %add3A_103 = vector.broadcast %mul3A_102 : i32 to vector<512x1xi32>
    %add3A_104 = arith.addi %broadcast_in_dim3A_100, %add3A_103 : vector<512x1xi32>
    %swap3A_105 = arith.constant 0 : index
    %swap3A_106 = arith.constant 0 : index
    %swap3A_107 = arith.constant 2 : index
    %swap3A_108 = vector.load %arg4[%swap3A_105, %swap3A_106, %swap3A_107] : memref<1x512x16xi32, #tpu.memory_space<vmem>>, vector<1x512x1xi32>
    %swap3A_109 = vector.shape_cast %swap3A_108 : vector<1x512x1xi32> to vector<512x1xi32>
    %swap3A_110 = vector.shape_cast %add3A_104 : vector<512x1xi32> to vector<1x512x1xi32>
    tpu.vector_store %arg4[%swap3A_105, %swap3A_106, %swap3A_107], %swap3A_110 {strides = array<i32>} : memref<1x512x16xi32, #tpu.memory_space<vmem>>, vector<1x512x1xi32>,
    %add3A_111 = arith.constant 9.99999996E-13 : f32
    %add3A_112 = vector.broadcast %add3A_111 : f32 to vector<512x1xf32>
    %add3A_113 = arith.addf %broadcast_in_dim3A_92, %add3A_112 : vector<512x1xf32>
    %sqrt3A_114 = math.sqrt %add3A_113 : vector<512x1xf32>
    %swap3A_115 = arith.constant 0 : index
    %swap3A_116 = arith.constant 0 : index
    %swap3A_117 = arith.constant 2 : index
    %swap3A_118 = vector.load %arg5[%swap3A_115, %swap3A_116, %swap3A_117] : memref<1x512x16xf32, #tpu.memory_space<vmem>>, vector<1x512x1xf32>
    %swap3A_119 = vector.shape_cast %swap3A_118 : vector<1x512x1xf32> to vector<512x1xf32>
    %swap3A_120 = vector.shape_cast %sqrt3A_114 : vector<512x1xf32> to vector<1x512x1xf32>
    tpu.vector_store %arg5[%swap3A_115, %swap3A_116, %swap3A_117], %swap3A_120 {strides = array<i32>} : memref<1x512x16xf32, #tpu.memory_space<vmem>>, vector<1x512x1xf32>,
    %eq3A_121 = vector.broadcast %broadcast_in_dim3A_100 : vector<512x1xi32> to vector<512x4096xi32>
    %eq3A_122 = arith.cmpi eq, %iota3A, %eq3A_121 : vector<512x4096xi32>
    %jit3A_123 = arith.constant 3.000000e+38 : f32
    %broadcast_in_dim3A_124 = vector.broadcast %jit3A_123 : f32 to vector<512x4096xf32>
    %select_n3A_125 = arith.select %eq3A_122, %broadcast_in_dim3A_124, %select_n3A_89 : vector<512x4096xi1>, vector<512x4096xf32>
    %reduce_min3A_126 = arith.constant dense<0x7F800000> : vector<512xf32>
    %reduce_min3A_127 = vector.multi_reduction <minimumf>, %select_n3A_125, %reduce_min3A_126 [1] : vector<512x4096xf32> to vector<512xf32>
    %broadcast_in_dim3A_128 = vector.shape_cast %reduce_min3A_127 : vector<512xf32> to vector<512x1xf32>
    %eq3A_129 = vector.broadcast %broadcast_in_dim3A_128 : vector<512x1xf32> to vector<512x4096xf32>
    %eq3A_130 = arith.cmpf oeq, %select_n3A_125, %eq3A_129 : vector<512x4096xf32>
    %jit3A_131 = arith.constant 4096 : i32
    %broadcast_in_dim3A_132 = vector.broadcast %jit3A_131 : i32 to vector<512x4096xi32>
    %select_n3A_133 = arith.select %eq3A_130, %iota3A, %broadcast_in_dim3A_132 : vector<512x4096xi1>, vector<512x4096xi32>
    %reduce_min3A_134 = arith.constant dense<2147483647> : vector<512xi32>
    %reduce_min3A_135 = vector.multi_reduction <minsi>, %select_n3A_133, %reduce_min3A_134 [1] : vector<512x4096xi32> to vector<512xi32>
    %broadcast_in_dim3A_136 = vector.shape_cast %reduce_min3A_135 : vector<512xi32> to vector<512x1xi32>
    %mul3A_137 = arith.constant 4096 : i32
    %mul3A_138 = arith.muli %arg0, %mul3A_137 : i32
    %add3A_139 = vector.broadcast %mul3A_138 : i32 to vector<512x1xi32>
    %add3A_140 = arith.addi %broadcast_in_dim3A_136, %add3A_139 : vector<512x1xi32>
    %swap3A_141 = arith.constant 0 : index
    %swap3A_142 = arith.constant 0 : index
    %swap3A_143 = arith.constant 3 : index
    %swap3A_144 = vector.load %arg4[%swap3A_141, %swap3A_142, %swap3A_143] : memref<1x512x16xi32, #tpu.memory_space<vmem>>, vector<1x512x1xi32>
    %swap3A_145 = vector.shape_cast %swap3A_144 : vector<1x512x1xi32> to vector<512x1xi32>
    %swap3A_146 = vector.shape_cast %add3A_140 : vector<512x1xi32> to vector<1x512x1xi32>
    tpu.vector_store %arg4[%swap3A_141, %swap3A_142, %swap3A_143], %swap3A_146 {strides = array<i32>} : memref<1x512x16xi32, #tpu.memory_space<vmem>>, vector<1x512x1xi32>,
    %add3A_147 = arith.constant 9.99999996E-13 : f32
    %add3A_148 = vector.broadcast %add3A_147 : f32 to vector<512x1xf32>
    %add3A_149 = arith.addf %broadcast_in_dim3A_128, %add3A_148 : vector<512x1xf32>
    %sqrt3A_150 = math.sqrt %add3A_149 : vector<512x1xf32>
    %swap3A_151 = arith.constant 0 : index
    %swap3A_152 = arith.constant 0 : index
    %swap3A_153 = arith.constant 3 : index
    %swap3A_154 = vector.load %arg5[%swap3A_151, %swap3A_152, %swap3A_153] : memref<1x512x16xf32, #tpu.memory_space<vmem>>, vector<1x512x1xf32>
    %swap3A_155 = vector.shape_cast %swap3A_154 : vector<1x512x1xf32> to vector<512x1xf32>
    %swap3A_156 = vector.shape_cast %sqrt3A_150 : vector<512x1xf32> to vector<1x512x1xf32>
    tpu.vector_store %arg5[%swap3A_151, %swap3A_152, %swap3A_153], %swap3A_156 {strides = array<i32>} : memref<1x512x16xf32, #tpu.memory_space<vmem>>, vector<1x512x1xf32>,
    %eq3A_157 = vector.broadcast %broadcast_in_dim3A_136 : vector<512x1xi32> to vector<512x4096xi32>
    %eq3A_158 = arith.cmpi eq, %iota3A, %eq3A_157 : vector<512x4096xi32>
    %jit3A_159 = arith.constant 3.000000e+38 : f32
    %broadcast_in_dim3A_160 = vector.broadcast %jit3A_159 : f32 to vector<512x4096xf32>
    %select_n3A_161 = arith.select %eq3A_158, %broadcast_in_dim3A_160, %select_n3A_125 : vector<512x4096xi1>, vector<512x4096xf32>
    %reduce_min3A_162 = arith.constant dense<0x7F800000> : vector<512xf32>
    %reduce_min3A_163 = vector.multi_reduction <minimumf>, %select_n3A_161, %reduce_min3A_162 [1] : vector<512x4096xf32> to vector<512xf32>
    %broadcast_in_dim3A_164 = vector.shape_cast %reduce_min3A_163 : vector<512xf32> to vector<512x1xf32>
    %eq3A_165 = vector.broadcast %broadcast_in_dim3A_164 : vector<512x1xf32> to vector<512x4096xf32>
    %eq3A_166 = arith.cmpf oeq, %select_n3A_161, %eq3A_165 : vector<512x4096xf32>
    %jit3A_167 = arith.constant 4096 : i32
    %broadcast_in_dim3A_168 = vector.broadcast %jit3A_167 : i32 to vector<512x4096xi32>
    %select_n3A_169 = arith.select %eq3A_166, %iota3A, %broadcast_in_dim3A_168 : vector<512x4096xi1>, vector<512x4096xi32>
    %reduce_min3A_170 = arith.constant dense<2147483647> : vector<512xi32>
    %reduce_min3A_171 = vector.multi_reduction <minsi>, %select_n3A_169, %reduce_min3A_170 [1] : vector<512x4096xi32> to vector<512xi32>
    %broadcast_in_dim3A_172 = vector.shape_cast %reduce_min3A_171 : vector<512xi32> to vector<512x1xi32>
    %mul3A_173 = arith.constant 4096 : i32
    %mul3A_174 = arith.muli %arg0, %mul3A_173 : i32
    %add3A_175 = vector.broadcast %mul3A_174 : i32 to vector<512x1xi32>
    %add3A_176 = arith.addi %broadcast_in_dim3A_172, %add3A_175 : vector<512x1xi32>
    %swap3A_177 = arith.constant 0 : index
    %swap3A_178 = arith.constant 0 : index
    %swap3A_179 = arith.constant 4 : index
    %swap3A_180 = vector.load %arg4[%swap3A_177, %swap3A_178, %swap3A_179] : memref<1x512x16xi32, #tpu.memory_space<vmem>>, vector<1x512x1xi32>
    %swap3A_181 = vector.shape_cast %swap3A_180 : vector<1x512x1xi32> to vector<512x1xi32>
    %swap3A_182 = vector.shape_cast %add3A_176 : vector<512x1xi32> to vector<1x512x1xi32>
    tpu.vector_store %arg4[%swap3A_177, %swap3A_178, %swap3A_179], %swap3A_182 {strides = array<i32>} : memref<1x512x16xi32, #tpu.memory_space<vmem>>, vector<1x512x1xi32>,
    %add3A_183 = arith.constant 9.99999996E-13 : f32
    %add3A_184 = vector.broadcast %add3A_183 : f32 to vector<512x1xf32>
    %add3A_185 = arith.addf %broadcast_in_dim3A_164, %add3A_184 : vector<512x1xf32>
    %sqrt3A_186 = math.sqrt %add3A_185 : vector<512x1xf32>
    %swap3A_187 = arith.constant 0 : index
    %swap3A_188 = arith.constant 0 : index
    %swap3A_189 = arith.constant 4 : index
    %swap3A_190 = vector.load %arg5[%swap3A_187, %swap3A_188, %swap3A_189] : memref<1x512x16xf32, #tpu.memory_space<vmem>>, vector<1x512x1xf32>
    %swap3A_191 = vector.shape_cast %swap3A_190 : vector<1x512x1xf32> to vector<512x1xf32>
    %swap3A_192 = vector.shape_cast %sqrt3A_186 : vector<512x1xf32> to vector<1x512x1xf32>
    tpu.vector_store %arg5[%swap3A_187, %swap3A_188, %swap3A_189], %swap3A_192 {strides = array<i32>} : memref<1x512x16xf32, #tpu.memory_space<vmem>>, vector<1x512x1xf32>,
    %eq3A_193 = vector.broadcast %broadcast_in_dim3A_172 : vector<512x1xi32> to vector<512x4096xi32>
    %eq3A_194 = arith.cmpi eq, %iota3A, %eq3A_193 : vector<512x4096xi32>
    %jit3A_195 = arith.constant 3.000000e+38 : f32
    %broadcast_in_dim3A_196 = vector.broadcast %jit3A_195 : f32 to vector<512x4096xf32>
    %select_n3A_197 = arith.select %eq3A_194, %broadcast_in_dim3A_196, %select_n3A_161 : vector<512x4096xi1>, vector<512x4096xf32>
    %reduce_min3A_198 = arith.constant dense<0x7F800000> : vector<512xf32>
    %reduce_min3A_199 = vector.multi_reduction <minimumf>, %select_n3A_197, %reduce_min3A_198 [1] : vector<512x4096xf32> to vector<512xf32>
    %broadcast_in_dim3A_200 = vector.shape_cast %reduce_min3A_199 : vector<512xf32> to vector<512x1xf32>
    %eq3A_201 = vector.broadcast %broadcast_in_dim3A_200 : vector<512x1xf32> to vector<512x4096xf32>
    %eq3A_202 = arith.cmpf oeq, %select_n3A_197, %eq3A_201 : vector<512x4096xf32>
    %jit3A_203 = arith.constant 4096 : i32
    %broadcast_in_dim3A_204 = vector.broadcast %jit3A_203 : i32 to vector<512x4096xi32>
    %select_n3A_205 = arith.select %eq3A_202, %iota3A, %broadcast_in_dim3A_204 : vector<512x4096xi1>, vector<512x4096xi32>
    %reduce_min3A_206 = arith.constant dense<2147483647> : vector<512xi32>
    %reduce_min3A_207 = vector.multi_reduction <minsi>, %select_n3A_205, %reduce_min3A_206 [1] : vector<512x4096xi32> to vector<512xi32>
    %broadcast_in_dim3A_208 = vector.shape_cast %reduce_min3A_207 : vector<512xi32> to vector<512x1xi32>
    %mul3A_209 = arith.constant 4096 : i32
    %mul3A_210 = arith.muli %arg0, %mul3A_209 : i32
    %add3A_211 = vector.broadcast %mul3A_210 : i32 to vector<512x1xi32>
    %add3A_212 = arith.addi %broadcast_in_dim3A_208, %add3A_211 : vector<512x1xi32>
    %swap3A_213 = arith.constant 0 : index
    %swap3A_214 = arith.constant 0 : index
    %swap3A_215 = arith.constant 5 : index
    %swap3A_216 = vector.load %arg4[%swap3A_213, %swap3A_214, %swap3A_215] : memref<1x512x16xi32, #tpu.memory_space<vmem>>, vector<1x512x1xi32>
    %swap3A_217 = vector.shape_cast %swap3A_216 : vector<1x512x1xi32> to vector<512x1xi32>
    %swap3A_218 = vector.shape_cast %add3A_212 : vector<512x1xi32> to vector<1x512x1xi32>
    tpu.vector_store %arg4[%swap3A_213, %swap3A_214, %swap3A_215], %swap3A_218 {strides = array<i32>} : memref<1x512x16xi32, #tpu.memory_space<vmem>>, vector<1x512x1xi32>,
    %add3A_219 = arith.constant 9.99999996E-13 : f32
    %add3A_220 = vector.broadcast %add3A_219 : f32 to vector<512x1xf32>
    %add3A_221 = arith.addf %broadcast_in_dim3A_200, %add3A_220 : vector<512x1xf32>
    %sqrt3A_222 = math.sqrt %add3A_221 : vector<512x1xf32>
    %swap3A_223 = arith.constant 0 : index
    %swap3A_224 = arith.constant 0 : index
    %swap3A_225 = arith.constant 5 : index
    %swap3A_226 = vector.load %arg5[%swap3A_223, %swap3A_224, %swap3A_225] : memref<1x512x16xf32, #tpu.memory_space<vmem>>, vector<1x512x1xf32>
    %swap3A_227 = vector.shape_cast %swap3A_226 : vector<1x512x1xf32> to vector<512x1xf32>
    %swap3A_228 = vector.shape_cast %sqrt3A_222 : vector<512x1xf32> to vector<1x512x1xf32>
    tpu.vector_store %arg5[%swap3A_223, %swap3A_224, %swap3A_225], %swap3A_228 {strides = array<i32>} : memref<1x512x16xf32, #tpu.memory_space<vmem>>, vector<1x512x1xf32>,
    %eq3A_229 = vector.broadcast %broadcast_in_dim3A_208 : vector<512x1xi32> to vector<512x4096xi32>
    %eq3A_230 = arith.cmpi eq, %iota3A, %eq3A_229 : vector<512x4096xi32>
    %jit3A_231 = arith.constant 3.000000e+38 : f32
    %broadcast_in_dim3A_232 = vector.broadcast %jit3A_231 : f32 to vector<512x4096xf32>
    %select_n3A_233 = arith.select %eq3A_230, %broadcast_in_dim3A_232, %select_n3A_197 : vector<512x4096xi1>, vector<512x4096xf32>
    %reduce_min3A_234 = arith.constant dense<0x7F800000> : vector<512xf32>
    %reduce_min3A_235 = vector.multi_reduction <minimumf>, %select_n3A_233, %reduce_min3A_234 [1] : vector<512x4096xf32> to vector<512xf32>
    %broadcast_in_dim3A_236 = vector.shape_cast %reduce_min3A_235 : vector<512xf32> to vector<512x1xf32>
    %eq3A_237 = vector.broadcast %broadcast_in_dim3A_236 : vector<512x1xf32> to vector<512x4096xf32>
    %eq3A_238 = arith.cmpf oeq, %select_n3A_233, %eq3A_237 : vector<512x4096xf32>
    %jit3A_239 = arith.constant 4096 : i32
    %broadcast_in_dim3A_240 = vector.broadcast %jit3A_239 : i32 to vector<512x4096xi32>
    %select_n3A_241 = arith.select %eq3A_238, %iota3A, %broadcast_in_dim3A_240 : vector<512x4096xi1>, vector<512x4096xi32>
    %reduce_min3A_242 = arith.constant dense<2147483647> : vector<512xi32>
    %reduce_min3A_243 = vector.multi_reduction <minsi>, %select_n3A_241, %reduce_min3A_242 [1] : vector<512x4096xi32> to vector<512xi32>
    %broadcast_in_dim3A_244 = vector.shape_cast %reduce_min3A_243 : vector<512xi32> to vector<512x1xi32>
    %mul3A_245 = arith.constant 4096 : i32
    %mul3A_246 = arith.muli %arg0, %mul3A_245 : i32
    %add3A_247 = vector.broadcast %mul3A_246 : i32 to vector<512x1xi32>
    %add3A_248 = arith.addi %broadcast_in_dim3A_244, %add3A_247 : vector<512x1xi32>
    %swap3A_249 = arith.constant 0 : index
    %swap3A_250 = arith.constant 0 : index
    %swap3A_251 = arith.constant 6 : index
    %swap3A_252 = vector.load %arg4[%swap3A_249, %swap3A_250, %swap3A_251] : memref<1x512x16xi32, #tpu.memory_space<vmem>>, vector<1x512x1xi32>
    %swap3A_253 = vector.shape_cast %swap3A_252 : vector<1x512x1xi32> to vector<512x1xi32>
    %swap3A_254 = vector.shape_cast %add3A_248 : vector<512x1xi32> to vector<1x512x1xi32>
    tpu.vector_store %arg4[%swap3A_249, %swap3A_250, %swap3A_251], %swap3A_254 {strides = array<i32>} : memref<1x512x16xi32, #tpu.memory_space<vmem>>, vector<1x512x1xi32>,
    %add3A_255 = arith.constant 9.99999996E-13 : f32
    %add3A_256 = vector.broadcast %add3A_255 : f32 to vector<512x1xf32>
    %add3A_257 = arith.addf %broadcast_in_dim3A_236, %add3A_256 : vector<512x1xf32>
    %sqrt3A_258 = math.sqrt %add3A_257 : vector<512x1xf32>
    %swap3A_259 = arith.constant 0 : index
    %swap3A_260 = arith.constant 0 : index
    %swap3A_261 = arith.constant 6 : index
    %swap3A_262 = vector.load %arg5[%swap3A_259, %swap3A_260, %swap3A_261] : memref<1x512x16xf32, #tpu.memory_space<vmem>>, vector<1x512x1xf32>
    %swap3A_263 = vector.shape_cast %swap3A_262 : vector<1x512x1xf32> to vector<512x1xf32>
    %swap3A_264 = vector.shape_cast %sqrt3A_258 : vector<512x1xf32> to vector<1x512x1xf32>
    tpu.vector_store %arg5[%swap3A_259, %swap3A_260, %swap3A_261], %swap3A_264 {strides = array<i32>} : memref<1x512x16xf32, #tpu.memory_space<vmem>>, vector<1x512x1xf32>,
    %eq3A_265 = vector.broadcast %broadcast_in_dim3A_244 : vector<512x1xi32> to vector<512x4096xi32>
    %eq3A_266 = arith.cmpi eq, %iota3A, %eq3A_265 : vector<512x4096xi32>
    %jit3A_267 = arith.constant 3.000000e+38 : f32
    %broadcast_in_dim3A_268 = vector.broadcast %jit3A_267 : f32 to vector<512x4096xf32>
    %select_n3A_269 = arith.select %eq3A_266, %broadcast_in_dim3A_268, %select_n3A_233 : vector<512x4096xi1>, vector<512x4096xf32>
    %reduce_min3A_270 = arith.constant dense<0x7F800000> : vector<512xf32>
    %reduce_min3A_271 = vector.multi_reduction <minimumf>, %select_n3A_269, %reduce_min3A_270 [1] : vector<512x4096xf32> to vector<512xf32>
    %broadcast_in_dim3A_272 = vector.shape_cast %reduce_min3A_271 : vector<512xf32> to vector<512x1xf32>
    %eq3A_273 = vector.broadcast %broadcast_in_dim3A_272 : vector<512x1xf32> to vector<512x4096xf32>
    %eq3A_274 = arith.cmpf oeq, %select_n3A_269, %eq3A_273 : vector<512x4096xf32>
    %jit3A_275 = arith.constant 4096 : i32
    %broadcast_in_dim3A_276 = vector.broadcast %jit3A_275 : i32 to vector<512x4096xi32>
    %select_n3A_277 = arith.select %eq3A_274, %iota3A, %broadcast_in_dim3A_276 : vector<512x4096xi1>, vector<512x4096xi32>
    %reduce_min3A_278 = arith.constant dense<2147483647> : vector<512xi32>
    %reduce_min3A_279 = vector.multi_reduction <minsi>, %select_n3A_277, %reduce_min3A_278 [1] : vector<512x4096xi32> to vector<512xi32>
    %broadcast_in_dim3A_280 = vector.shape_cast %reduce_min3A_279 : vector<512xi32> to vector<512x1xi32>
    %mul3A_281 = arith.constant 4096 : i32
    %mul3A_282 = arith.muli %arg0, %mul3A_281 : i32
    %add3A_283 = vector.broadcast %mul3A_282 : i32 to vector<512x1xi32>
    %add3A_284 = arith.addi %broadcast_in_dim3A_280, %add3A_283 : vector<512x1xi32>
    %swap3A_285 = arith.constant 0 : index
    %swap3A_286 = arith.constant 0 : index
    %swap3A_287 = arith.constant 7 : index
    %swap3A_288 = vector.load %arg4[%swap3A_285, %swap3A_286, %swap3A_287] : memref<1x512x16xi32, #tpu.memory_space<vmem>>, vector<1x512x1xi32>
    %swap3A_289 = vector.shape_cast %swap3A_288 : vector<1x512x1xi32> to vector<512x1xi32>
    %swap3A_290 = vector.shape_cast %add3A_284 : vector<512x1xi32> to vector<1x512x1xi32>
    tpu.vector_store %arg4[%swap3A_285, %swap3A_286, %swap3A_287], %swap3A_290 {strides = array<i32>} : memref<1x512x16xi32, #tpu.memory_space<vmem>>, vector<1x512x1xi32>,
    %add3A_291 = arith.constant 9.99999996E-13 : f32
    %add3A_292 = vector.broadcast %add3A_291 : f32 to vector<512x1xf32>
    %add3A_293 = arith.addf %broadcast_in_dim3A_272, %add3A_292 : vector<512x1xf32>
    %sqrt3A_294 = math.sqrt %add3A_293 : vector<512x1xf32>
    %swap3A_295 = arith.constant 0 : index
    %swap3A_296 = arith.constant 0 : index
    %swap3A_297 = arith.constant 7 : index
    %swap3A_298 = vector.load %arg5[%swap3A_295, %swap3A_296, %swap3A_297] : memref<1x512x16xf32, #tpu.memory_space<vmem>>, vector<1x512x1xf32>
    %swap3A_299 = vector.shape_cast %swap3A_298 : vector<1x512x1xf32> to vector<512x1xf32>
    %swap3A_300 = vector.shape_cast %sqrt3A_294 : vector<512x1xf32> to vector<1x512x1xf32>
    tpu.vector_store %arg5[%swap3A_295, %swap3A_296, %swap3A_297], %swap3A_300 {strides = array<i32>} : memref<1x512x16xf32, #tpu.memory_space<vmem>>, vector<1x512x1xf32>,
    %eq3A_301 = vector.broadcast %broadcast_in_dim3A_280 : vector<512x1xi32> to vector<512x4096xi32>
    %eq3A_302 = arith.cmpi eq, %iota3A, %eq3A_301 : vector<512x4096xi32>
    %jit3A_303 = arith.constant 3.000000e+38 : f32
    %broadcast_in_dim3A_304 = vector.broadcast %jit3A_303 : f32 to vector<512x4096xf32>
    %select_n3A_305 = arith.select %eq3A_302, %broadcast_in_dim3A_304, %select_n3A_269 : vector<512x4096xi1>, vector<512x4096xf32>
    %reduce_min3A_306 = arith.constant dense<0x7F800000> : vector<512xf32>
    %reduce_min3A_307 = vector.multi_reduction <minimumf>, %select_n3A_305, %reduce_min3A_306 [1] : vector<512x4096xf32> to vector<512xf32>
    %broadcast_in_dim3A_308 = vector.shape_cast %reduce_min3A_307 : vector<512xf32> to vector<512x1xf32>
    %eq3A_309 = vector.broadcast %broadcast_in_dim3A_308 : vector<512x1xf32> to vector<512x4096xf32>
    %eq3A_310 = arith.cmpf oeq, %select_n3A_305, %eq3A_309 : vector<512x4096xf32>
    %jit3A_311 = arith.constant 4096 : i32
    %broadcast_in_dim3A_312 = vector.broadcast %jit3A_311 : i32 to vector<512x4096xi32>
    %select_n3A_313 = arith.select %eq3A_310, %iota3A, %broadcast_in_dim3A_312 : vector<512x4096xi1>, vector<512x4096xi32>
    %reduce_min3A_314 = arith.constant dense<2147483647> : vector<512xi32>
    %reduce_min3A_315 = vector.multi_reduction <minsi>, %select_n3A_313, %reduce_min3A_314 [1] : vector<512x4096xi32> to vector<512xi32>
    %broadcast_in_dim3A_316 = vector.shape_cast %reduce_min3A_315 : vector<512xi32> to vector<512x1xi32>
    %mul3A_317 = arith.constant 4096 : i32
    %mul3A_318 = arith.muli %arg0, %mul3A_317 : i32
    %add3A_319 = vector.broadcast %mul3A_318 : i32 to vector<512x1xi32>
    %add3A_320 = arith.addi %broadcast_in_dim3A_316, %add3A_319 : vector<512x1xi32>
    %swap3A_321 = arith.constant 0 : index
    %swap3A_322 = arith.constant 0 : index
    %swap3A_323 = arith.constant 8 : index
    %swap3A_324 = vector.load %arg4[%swap3A_321, %swap3A_322, %swap3A_323] : memref<1x512x16xi32, #tpu.memory_space<vmem>>, vector<1x512x1xi32>
    %swap3A_325 = vector.shape_cast %swap3A_324 : vector<1x512x1xi32> to vector<512x1xi32>
    %swap3A_326 = vector.shape_cast %add3A_320 : vector<512x1xi32> to vector<1x512x1xi32>
    tpu.vector_store %arg4[%swap3A_321, %swap3A_322, %swap3A_323], %swap3A_326 {strides = array<i32>} : memref<1x512x16xi32, #tpu.memory_space<vmem>>, vector<1x512x1xi32>,
    %add3A_327 = arith.constant 9.99999996E-13 : f32
    %add3A_328 = vector.broadcast %add3A_327 : f32 to vector<512x1xf32>
    %add3A_329 = arith.addf %broadcast_in_dim3A_308, %add3A_328 : vector<512x1xf32>
    %sqrt3A_330 = math.sqrt %add3A_329 : vector<512x1xf32>
    %swap3A_331 = arith.constant 0 : index
    %swap3A_332 = arith.constant 0 : index
    %swap3A_333 = arith.constant 8 : index
    %swap3A_334 = vector.load %arg5[%swap3A_331, %swap3A_332, %swap3A_333] : memref<1x512x16xf32, #tpu.memory_space<vmem>>, vector<1x512x1xf32>
    %swap3A_335 = vector.shape_cast %swap3A_334 : vector<1x512x1xf32> to vector<512x1xf32>
    %swap3A_336 = vector.shape_cast %sqrt3A_330 : vector<512x1xf32> to vector<1x512x1xf32>
    tpu.vector_store %arg5[%swap3A_331, %swap3A_332, %swap3A_333], %swap3A_336 {strides = array<i32>} : memref<1x512x16xf32, #tpu.memory_space<vmem>>, vector<1x512x1xf32>,
    %eq3A_337 = vector.broadcast %broadcast_in_dim3A_316 : vector<512x1xi32> to vector<512x4096xi32>
    %eq3A_338 = arith.cmpi eq, %iota3A, %eq3A_337 : vector<512x4096xi32>
    %jit3A_339 = arith.constant 3.000000e+38 : f32
    %broadcast_in_dim3A_340 = vector.broadcast %jit3A_339 : f32 to vector<512x4096xf32>
    %select_n3A_341 = arith.select %eq3A_338, %broadcast_in_dim3A_340, %select_n3A_305 : vector<512x4096xi1>, vector<512x4096xf32>
    %reduce_min3A_342 = arith.constant dense<0x7F800000> : vector<512xf32>
    %reduce_min3A_343 = vector.multi_reduction <minimumf>, %select_n3A_341, %reduce_min3A_342 [1] : vector<512x4096xf32> to vector<512xf32>
    %broadcast_in_dim3A_344 = vector.shape_cast %reduce_min3A_343 : vector<512xf32> to vector<512x1xf32>
    %eq3A_345 = vector.broadcast %broadcast_in_dim3A_344 : vector<512x1xf32> to vector<512x4096xf32>
    %eq3A_346 = arith.cmpf oeq, %select_n3A_341, %eq3A_345 : vector<512x4096xf32>
    %jit3A_347 = arith.constant 4096 : i32
    %broadcast_in_dim3A_348 = vector.broadcast %jit3A_347 : i32 to vector<512x4096xi32>
    %select_n3A_349 = arith.select %eq3A_346, %iota3A, %broadcast_in_dim3A_348 : vector<512x4096xi1>, vector<512x4096xi32>
    %reduce_min3A_350 = arith.constant dense<2147483647> : vector<512xi32>
    %reduce_min3A_351 = vector.multi_reduction <minsi>, %select_n3A_349, %reduce_min3A_350 [1] : vector<512x4096xi32> to vector<512xi32>
    %broadcast_in_dim3A_352 = vector.shape_cast %reduce_min3A_351 : vector<512xi32> to vector<512x1xi32>
    %mul3A_353 = arith.constant 4096 : i32
    %mul3A_354 = arith.muli %arg0, %mul3A_353 : i32
    %add3A_355 = vector.broadcast %mul3A_354 : i32 to vector<512x1xi32>
    %add3A_356 = arith.addi %broadcast_in_dim3A_352, %add3A_355 : vector<512x1xi32>
    %swap3A_357 = arith.constant 0 : index
    %swap3A_358 = arith.constant 0 : index
    %swap3A_359 = arith.constant 9 : index
    %swap3A_360 = vector.load %arg4[%swap3A_357, %swap3A_358, %swap3A_359] : memref<1x512x16xi32, #tpu.memory_space<vmem>>, vector<1x512x1xi32>
    %swap3A_361 = vector.shape_cast %swap3A_360 : vector<1x512x1xi32> to vector<512x1xi32>
    %swap3A_362 = vector.shape_cast %add3A_356 : vector<512x1xi32> to vector<1x512x1xi32>
    tpu.vector_store %arg4[%swap3A_357, %swap3A_358, %swap3A_359], %swap3A_362 {strides = array<i32>} : memref<1x512x16xi32, #tpu.memory_space<vmem>>, vector<1x512x1xi32>,
    %add3A_363 = arith.constant 9.99999996E-13 : f32
    %add3A_364 = vector.broadcast %add3A_363 : f32 to vector<512x1xf32>
    %add3A_365 = arith.addf %broadcast_in_dim3A_344, %add3A_364 : vector<512x1xf32>
    %sqrt3A_366 = math.sqrt %add3A_365 : vector<512x1xf32>
    %swap3A_367 = arith.constant 0 : index
    %swap3A_368 = arith.constant 0 : index
    %swap3A_369 = arith.constant 9 : index
    %swap3A_370 = vector.load %arg5[%swap3A_367, %swap3A_368, %swap3A_369] : memref<1x512x16xf32, #tpu.memory_space<vmem>>, vector<1x512x1xf32>
    %swap3A_371 = vector.shape_cast %swap3A_370 : vector<1x512x1xf32> to vector<512x1xf32>
    %swap3A_372 = vector.shape_cast %sqrt3A_366 : vector<512x1xf32> to vector<1x512x1xf32>
    tpu.vector_store %arg5[%swap3A_367, %swap3A_368, %swap3A_369], %swap3A_372 {strides = array<i32>} : memref<1x512x16xf32, #tpu.memory_space<vmem>>, vector<1x512x1xf32>,
    %eq3A_373 = vector.broadcast %broadcast_in_dim3A_352 : vector<512x1xi32> to vector<512x4096xi32>
    %eq3A_374 = arith.cmpi eq, %iota3A, %eq3A_373 : vector<512x4096xi32>
    %jit3A_375 = arith.constant 3.000000e+38 : f32
    %broadcast_in_dim3A_376 = vector.broadcast %jit3A_375 : f32 to vector<512x4096xf32>
    %select_n3A_377 = arith.select %eq3A_374, %broadcast_in_dim3A_376, %select_n3A_341 : vector<512x4096xi1>, vector<512x4096xf32>
    %reduce_min3A_378 = arith.constant dense<0x7F800000> : vector<512xf32>
    %reduce_min3A_379 = vector.multi_reduction <minimumf>, %select_n3A_377, %reduce_min3A_378 [1] : vector<512x4096xf32> to vector<512xf32>
    %broadcast_in_dim3A_380 = vector.shape_cast %reduce_min3A_379 : vector<512xf32> to vector<512x1xf32>
    %eq3A_381 = vector.broadcast %broadcast_in_dim3A_380 : vector<512x1xf32> to vector<512x4096xf32>
    %eq3A_382 = arith.cmpf oeq, %select_n3A_377, %eq3A_381 : vector<512x4096xf32>
    %jit3A_383 = arith.constant 4096 : i32
    %broadcast_in_dim3A_384 = vector.broadcast %jit3A_383 : i32 to vector<512x4096xi32>
    %select_n3A_385 = arith.select %eq3A_382, %iota3A, %broadcast_in_dim3A_384 : vector<512x4096xi1>, vector<512x4096xi32>
    %reduce_min3A_386 = arith.constant dense<2147483647> : vector<512xi32>
    %reduce_min3A_387 = vector.multi_reduction <minsi>, %select_n3A_385, %reduce_min3A_386 [1] : vector<512x4096xi32> to vector<512xi32>
    %broadcast_in_dim3A_388 = vector.shape_cast %reduce_min3A_387 : vector<512xi32> to vector<512x1xi32>
    %mul3A_389 = arith.constant 4096 : i32
    %mul3A_390 = arith.muli %arg0, %mul3A_389 : i32
    %add3A_391 = vector.broadcast %mul3A_390 : i32 to vector<512x1xi32>
    %add3A_392 = arith.addi %broadcast_in_dim3A_388, %add3A_391 : vector<512x1xi32>
    %swap3A_393 = arith.constant 0 : index
    %swap3A_394 = arith.constant 0 : index
    %swap3A_395 = arith.constant 10 : index
    %swap3A_396 = vector.load %arg4[%swap3A_393, %swap3A_394, %swap3A_395] : memref<1x512x16xi32, #tpu.memory_space<vmem>>, vector<1x512x1xi32>
    %swap3A_397 = vector.shape_cast %swap3A_396 : vector<1x512x1xi32> to vector<512x1xi32>
    %swap3A_398 = vector.shape_cast %add3A_392 : vector<512x1xi32> to vector<1x512x1xi32>
    tpu.vector_store %arg4[%swap3A_393, %swap3A_394, %swap3A_395], %swap3A_398 {strides = array<i32>} : memref<1x512x16xi32, #tpu.memory_space<vmem>>, vector<1x512x1xi32>,
    %add3A_399 = arith.constant 9.99999996E-13 : f32
    %add3A_400 = vector.broadcast %add3A_399 : f32 to vector<512x1xf32>
    %add3A_401 = arith.addf %broadcast_in_dim3A_380, %add3A_400 : vector<512x1xf32>
    %sqrt3A_402 = math.sqrt %add3A_401 : vector<512x1xf32>
    %swap3A_403 = arith.constant 0 : index
    %swap3A_404 = arith.constant 0 : index
    %swap3A_405 = arith.constant 10 : index
    %swap3A_406 = vector.load %arg5[%swap3A_403, %swap3A_404, %swap3A_405] : memref<1x512x16xf32, #tpu.memory_space<vmem>>, vector<1x512x1xf32>
    %swap3A_407 = vector.shape_cast %swap3A_406 : vector<1x512x1xf32> to vector<512x1xf32>
    %swap3A_408 = vector.shape_cast %sqrt3A_402 : vector<512x1xf32> to vector<1x512x1xf32>
    tpu.vector_store %arg5[%swap3A_403, %swap3A_404, %swap3A_405], %swap3A_408 {strides = array<i32>} : memref<1x512x16xf32, #tpu.memory_space<vmem>>, vector<1x512x1xf32>,
    %eq3A_409 = vector.broadcast %broadcast_in_dim3A_388 : vector<512x1xi32> to vector<512x4096xi32>
    %eq3A_410 = arith.cmpi eq, %iota3A, %eq3A_409 : vector<512x4096xi32>
    %jit3A_411 = arith.constant 3.000000e+38 : f32
    %broadcast_in_dim3A_412 = vector.broadcast %jit3A_411 : f32 to vector<512x4096xf32>
    %select_n3A_413 = arith.select %eq3A_410, %broadcast_in_dim3A_412, %select_n3A_377 : vector<512x4096xi1>, vector<512x4096xf32>
    %reduce_min3A_414 = arith.constant dense<0x7F800000> : vector<512xf32>
    %reduce_min3A_415 = vector.multi_reduction <minimumf>, %select_n3A_413, %reduce_min3A_414 [1] : vector<512x4096xf32> to vector<512xf32>
    %broadcast_in_dim3A_416 = vector.shape_cast %reduce_min3A_415 : vector<512xf32> to vector<512x1xf32>
    %eq3A_417 = vector.broadcast %broadcast_in_dim3A_416 : vector<512x1xf32> to vector<512x4096xf32>
    %eq3A_418 = arith.cmpf oeq, %select_n3A_413, %eq3A_417 : vector<512x4096xf32>
    %jit3A_419 = arith.constant 4096 : i32
    %broadcast_in_dim3A_420 = vector.broadcast %jit3A_419 : i32 to vector<512x4096xi32>
    %select_n3A_421 = arith.select %eq3A_418, %iota3A, %broadcast_in_dim3A_420 : vector<512x4096xi1>, vector<512x4096xi32>
    %reduce_min3A_422 = arith.constant dense<2147483647> : vector<512xi32>
    %reduce_min3A_423 = vector.multi_reduction <minsi>, %select_n3A_421, %reduce_min3A_422 [1] : vector<512x4096xi32> to vector<512xi32>
    %broadcast_in_dim3A_424 = vector.shape_cast %reduce_min3A_423 : vector<512xi32> to vector<512x1xi32>
    %mul3A_425 = arith.constant 4096 : i32
    %mul3A_426 = arith.muli %arg0, %mul3A_425 : i32
    %add3A_427 = vector.broadcast %mul3A_426 : i32 to vector<512x1xi32>
    %add3A_428 = arith.addi %broadcast_in_dim3A_424, %add3A_427 : vector<512x1xi32>
    %swap3A_429 = arith.constant 0 : index
    %swap3A_430 = arith.constant 0 : index
    %swap3A_431 = arith.constant 11 : index
    %swap3A_432 = vector.load %arg4[%swap3A_429, %swap3A_430, %swap3A_431] : memref<1x512x16xi32, #tpu.memory_space<vmem>>, vector<1x512x1xi32>
    %swap3A_433 = vector.shape_cast %swap3A_432 : vector<1x512x1xi32> to vector<512x1xi32>
    %swap3A_434 = vector.shape_cast %add3A_428 : vector<512x1xi32> to vector<1x512x1xi32>
    tpu.vector_store %arg4[%swap3A_429, %swap3A_430, %swap3A_431], %swap3A_434 {strides = array<i32>} : memref<1x512x16xi32, #tpu.memory_space<vmem>>, vector<1x512x1xi32>,
    %add3A_435 = arith.constant 9.99999996E-13 : f32
    %add3A_436 = vector.broadcast %add3A_435 : f32 to vector<512x1xf32>
    %add3A_437 = arith.addf %broadcast_in_dim3A_416, %add3A_436 : vector<512x1xf32>
    %sqrt3A_438 = math.sqrt %add3A_437 : vector<512x1xf32>
    %swap3A_439 = arith.constant 0 : index
    %swap3A_440 = arith.constant 0 : index
    %swap3A_441 = arith.constant 11 : index
    %swap3A_442 = vector.load %arg5[%swap3A_439, %swap3A_440, %swap3A_441] : memref<1x512x16xf32, #tpu.memory_space<vmem>>, vector<1x512x1xf32>
    %swap3A_443 = vector.shape_cast %swap3A_442 : vector<1x512x1xf32> to vector<512x1xf32>
    %swap3A_444 = vector.shape_cast %sqrt3A_438 : vector<512x1xf32> to vector<1x512x1xf32>
    tpu.vector_store %arg5[%swap3A_439, %swap3A_440, %swap3A_441], %swap3A_444 {strides = array<i32>} : memref<1x512x16xf32, #tpu.memory_space<vmem>>, vector<1x512x1xf32>,
    %eq3A_445 = vector.broadcast %broadcast_in_dim3A_424 : vector<512x1xi32> to vector<512x4096xi32>
    %eq3A_446 = arith.cmpi eq, %iota3A, %eq3A_445 : vector<512x4096xi32>
    %jit3A_447 = arith.constant 3.000000e+38 : f32
    %broadcast_in_dim3A_448 = vector.broadcast %jit3A_447 : f32 to vector<512x4096xf32>
    %select_n3A_449 = arith.select %eq3A_446, %broadcast_in_dim3A_448, %select_n3A_413 : vector<512x4096xi1>, vector<512x4096xf32>
    %reduce_min3A_450 = arith.constant dense<0x7F800000> : vector<512xf32>
    %reduce_min3A_451 = vector.multi_reduction <minimumf>, %select_n3A_449, %reduce_min3A_450 [1] : vector<512x4096xf32> to vector<512xf32>
    %broadcast_in_dim3A_452 = vector.shape_cast %reduce_min3A_451 : vector<512xf32> to vector<512x1xf32>
    %eq3A_453 = vector.broadcast %broadcast_in_dim3A_452 : vector<512x1xf32> to vector<512x4096xf32>
    %eq3A_454 = arith.cmpf oeq, %select_n3A_449, %eq3A_453 : vector<512x4096xf32>
    %jit3A_455 = arith.constant 4096 : i32
    %broadcast_in_dim3A_456 = vector.broadcast %jit3A_455 : i32 to vector<512x4096xi32>
    %select_n3A_457 = arith.select %eq3A_454, %iota3A, %broadcast_in_dim3A_456 : vector<512x4096xi1>, vector<512x4096xi32>
    %reduce_min3A_458 = arith.constant dense<2147483647> : vector<512xi32>
    %reduce_min3A_459 = vector.multi_reduction <minsi>, %select_n3A_457, %reduce_min3A_458 [1] : vector<512x4096xi32> to vector<512xi32>
    %broadcast_in_dim3A_460 = vector.shape_cast %reduce_min3A_459 : vector<512xi32> to vector<512x1xi32>
    %mul3A_461 = arith.constant 4096 : i32
    %mul3A_462 = arith.muli %arg0, %mul3A_461 : i32
    %add3A_463 = vector.broadcast %mul3A_462 : i32 to vector<512x1xi32>
    %add3A_464 = arith.addi %broadcast_in_dim3A_460, %add3A_463 : vector<512x1xi32>
    %swap3A_465 = arith.constant 0 : index
    %swap3A_466 = arith.constant 0 : index
    %swap3A_467 = arith.constant 12 : index
    %swap3A_468 = vector.load %arg4[%swap3A_465, %swap3A_466, %swap3A_467] : memref<1x512x16xi32, #tpu.memory_space<vmem>>, vector<1x512x1xi32>
    %swap3A_469 = vector.shape_cast %swap3A_468 : vector<1x512x1xi32> to vector<512x1xi32>
    %swap3A_470 = vector.shape_cast %add3A_464 : vector<512x1xi32> to vector<1x512x1xi32>
    tpu.vector_store %arg4[%swap3A_465, %swap3A_466, %swap3A_467], %swap3A_470 {strides = array<i32>} : memref<1x512x16xi32, #tpu.memory_space<vmem>>, vector<1x512x1xi32>,
    %add3A_471 = arith.constant 9.99999996E-13 : f32
    %add3A_472 = vector.broadcast %add3A_471 : f32 to vector<512x1xf32>
    %add3A_473 = arith.addf %broadcast_in_dim3A_452, %add3A_472 : vector<512x1xf32>
    %sqrt3A_474 = math.sqrt %add3A_473 : vector<512x1xf32>
    %swap3A_475 = arith.constant 0 : index
    %swap3A_476 = arith.constant 0 : index
    %swap3A_477 = arith.constant 12 : index
    %swap3A_478 = vector.load %arg5[%swap3A_475, %swap3A_476, %swap3A_477] : memref<1x512x16xf32, #tpu.memory_space<vmem>>, vector<1x512x1xf32>
    %swap3A_479 = vector.shape_cast %swap3A_478 : vector<1x512x1xf32> to vector<512x1xf32>
    %swap3A_480 = vector.shape_cast %sqrt3A_474 : vector<512x1xf32> to vector<1x512x1xf32>
    tpu.vector_store %arg5[%swap3A_475, %swap3A_476, %swap3A_477], %swap3A_480 {strides = array<i32>} : memref<1x512x16xf32, #tpu.memory_space<vmem>>, vector<1x512x1xf32>,
    %eq3A_481 = vector.broadcast %broadcast_in_dim3A_460 : vector<512x1xi32> to vector<512x4096xi32>
    %eq3A_482 = arith.cmpi eq, %iota3A, %eq3A_481 : vector<512x4096xi32>
    %jit3A_483 = arith.constant 3.000000e+38 : f32
    %broadcast_in_dim3A_484 = vector.broadcast %jit3A_483 : f32 to vector<512x4096xf32>
    %select_n3A_485 = arith.select %eq3A_482, %broadcast_in_dim3A_484, %select_n3A_449 : vector<512x4096xi1>, vector<512x4096xf32>
    %reduce_min3A_486 = arith.constant dense<0x7F800000> : vector<512xf32>
    %reduce_min3A_487 = vector.multi_reduction <minimumf>, %select_n3A_485, %reduce_min3A_486 [1] : vector<512x4096xf32> to vector<512xf32>
    %broadcast_in_dim3A_488 = vector.shape_cast %reduce_min3A_487 : vector<512xf32> to vector<512x1xf32>
    %eq3A_489 = vector.broadcast %broadcast_in_dim3A_488 : vector<512x1xf32> to vector<512x4096xf32>
    %eq3A_490 = arith.cmpf oeq, %select_n3A_485, %eq3A_489 : vector<512x4096xf32>
    %jit3A_491 = arith.constant 4096 : i32
    %broadcast_in_dim3A_492 = vector.broadcast %jit3A_491 : i32 to vector<512x4096xi32>
    %select_n3A_493 = arith.select %eq3A_490, %iota3A, %broadcast_in_dim3A_492 : vector<512x4096xi1>, vector<512x4096xi32>
    %reduce_min3A_494 = arith.constant dense<2147483647> : vector<512xi32>
    %reduce_min3A_495 = vector.multi_reduction <minsi>, %select_n3A_493, %reduce_min3A_494 [1] : vector<512x4096xi32> to vector<512xi32>
    %broadcast_in_dim3A_496 = vector.shape_cast %reduce_min3A_495 : vector<512xi32> to vector<512x1xi32>
    %mul3A_497 = arith.constant 4096 : i32
    %mul3A_498 = arith.muli %arg0, %mul3A_497 : i32
    %add3A_499 = vector.broadcast %mul3A_498 : i32 to vector<512x1xi32>
    %add3A_500 = arith.addi %broadcast_in_dim3A_496, %add3A_499 : vector<512x1xi32>
    %swap3A_501 = arith.constant 0 : index
    %swap3A_502 = arith.constant 0 : index
    %swap3A_503 = arith.constant 13 : index
    %swap3A_504 = vector.load %arg4[%swap3A_501, %swap3A_502, %swap3A_503] : memref<1x512x16xi32, #tpu.memory_space<vmem>>, vector<1x512x1xi32>
    %swap3A_505 = vector.shape_cast %swap3A_504 : vector<1x512x1xi32> to vector<512x1xi32>
    %swap3A_506 = vector.shape_cast %add3A_500 : vector<512x1xi32> to vector<1x512x1xi32>
    tpu.vector_store %arg4[%swap3A_501, %swap3A_502, %swap3A_503], %swap3A_506 {strides = array<i32>} : memref<1x512x16xi32, #tpu.memory_space<vmem>>, vector<1x512x1xi32>,
    %add3A_507 = arith.constant 9.99999996E-13 : f32
    %add3A_508 = vector.broadcast %add3A_507 : f32 to vector<512x1xf32>
    %add3A_509 = arith.addf %broadcast_in_dim3A_488, %add3A_508 : vector<512x1xf32>
    %sqrt3A_510 = math.sqrt %add3A_509 : vector<512x1xf32>
    %swap3A_511 = arith.constant 0 : index
    %swap3A_512 = arith.constant 0 : index
    %swap3A_513 = arith.constant 13 : index
    %swap3A_514 = vector.load %arg5[%swap3A_511, %swap3A_512, %swap3A_513] : memref<1x512x16xf32, #tpu.memory_space<vmem>>, vector<1x512x1xf32>
    %swap3A_515 = vector.shape_cast %swap3A_514 : vector<1x512x1xf32> to vector<512x1xf32>
    %swap3A_516 = vector.shape_cast %sqrt3A_510 : vector<512x1xf32> to vector<1x512x1xf32>
    tpu.vector_store %arg5[%swap3A_511, %swap3A_512, %swap3A_513], %swap3A_516 {strides = array<i32>} : memref<1x512x16xf32, #tpu.memory_space<vmem>>, vector<1x512x1xf32>,
    %eq3A_517 = vector.broadcast %broadcast_in_dim3A_496 : vector<512x1xi32> to vector<512x4096xi32>
    %eq3A_518 = arith.cmpi eq, %iota3A, %eq3A_517 : vector<512x4096xi32>
    %jit3A_519 = arith.constant 3.000000e+38 : f32
    %broadcast_in_dim3A_520 = vector.broadcast %jit3A_519 : f32 to vector<512x4096xf32>
    %select_n3A_521 = arith.select %eq3A_518, %broadcast_in_dim3A_520, %select_n3A_485 : vector<512x4096xi1>, vector<512x4096xf32>
    %reduce_min3A_522 = arith.constant dense<0x7F800000> : vector<512xf32>
    %reduce_min3A_523 = vector.multi_reduction <minimumf>, %select_n3A_521, %reduce_min3A_522 [1] : vector<512x4096xf32> to vector<512xf32>
    %broadcast_in_dim3A_524 = vector.shape_cast %reduce_min3A_523 : vector<512xf32> to vector<512x1xf32>
    %eq3A_525 = vector.broadcast %broadcast_in_dim3A_524 : vector<512x1xf32> to vector<512x4096xf32>
    %eq3A_526 = arith.cmpf oeq, %select_n3A_521, %eq3A_525 : vector<512x4096xf32>
    %jit3A_527 = arith.constant 4096 : i32
    %broadcast_in_dim3A_528 = vector.broadcast %jit3A_527 : i32 to vector<512x4096xi32>
    %select_n3A_529 = arith.select %eq3A_526, %iota3A, %broadcast_in_dim3A_528 : vector<512x4096xi1>, vector<512x4096xi32>
    %reduce_min3A_530 = arith.constant dense<2147483647> : vector<512xi32>
    %reduce_min3A_531 = vector.multi_reduction <minsi>, %select_n3A_529, %reduce_min3A_530 [1] : vector<512x4096xi32> to vector<512xi32>
    %broadcast_in_dim3A_532 = vector.shape_cast %reduce_min3A_531 : vector<512xi32> to vector<512x1xi32>
    %mul3A_533 = arith.constant 4096 : i32
    %mul3A_534 = arith.muli %arg0, %mul3A_533 : i32
    %add3A_535 = vector.broadcast %mul3A_534 : i32 to vector<512x1xi32>
    %add3A_536 = arith.addi %broadcast_in_dim3A_532, %add3A_535 : vector<512x1xi32>
    %swap3A_537 = arith.constant 0 : index
    %swap3A_538 = arith.constant 0 : index
    %swap3A_539 = arith.constant 14 : index
    %swap3A_540 = vector.load %arg4[%swap3A_537, %swap3A_538, %swap3A_539] : memref<1x512x16xi32, #tpu.memory_space<vmem>>, vector<1x512x1xi32>
    %swap3A_541 = vector.shape_cast %swap3A_540 : vector<1x512x1xi32> to vector<512x1xi32>
    %swap3A_542 = vector.shape_cast %add3A_536 : vector<512x1xi32> to vector<1x512x1xi32>
    tpu.vector_store %arg4[%swap3A_537, %swap3A_538, %swap3A_539], %swap3A_542 {strides = array<i32>} : memref<1x512x16xi32, #tpu.memory_space<vmem>>, vector<1x512x1xi32>,
    %add3A_543 = arith.constant 9.99999996E-13 : f32
    %add3A_544 = vector.broadcast %add3A_543 : f32 to vector<512x1xf32>
    %add3A_545 = arith.addf %broadcast_in_dim3A_524, %add3A_544 : vector<512x1xf32>
    %sqrt3A_546 = math.sqrt %add3A_545 : vector<512x1xf32>
    %swap3A_547 = arith.constant 0 : index
    %swap3A_548 = arith.constant 0 : index
    %swap3A_549 = arith.constant 14 : index
    %swap3A_550 = vector.load %arg5[%swap3A_547, %swap3A_548, %swap3A_549] : memref<1x512x16xf32, #tpu.memory_space<vmem>>, vector<1x512x1xf32>
    %swap3A_551 = vector.shape_cast %swap3A_550 : vector<1x512x1xf32> to vector<512x1xf32>
    %swap3A_552 = vector.shape_cast %sqrt3A_546 : vector<512x1xf32> to vector<1x512x1xf32>
    tpu.vector_store %arg5[%swap3A_547, %swap3A_548, %swap3A_549], %swap3A_552 {strides = array<i32>} : memref<1x512x16xf32, #tpu.memory_space<vmem>>, vector<1x512x1xf32>,
    %eq3A_553 = vector.broadcast %broadcast_in_dim3A_532 : vector<512x1xi32> to vector<512x4096xi32>
    %eq3A_554 = arith.cmpi eq, %iota3A, %eq3A_553 : vector<512x4096xi32>
    %jit3A_555 = arith.constant 3.000000e+38 : f32
    %broadcast_in_dim3A_556 = vector.broadcast %jit3A_555 : f32 to vector<512x4096xf32>
    %select_n3A_557 = arith.select %eq3A_554, %broadcast_in_dim3A_556, %select_n3A_521 : vector<512x4096xi1>, vector<512x4096xf32>
    %reduce_min3A_558 = arith.constant dense<0x7F800000> : vector<512xf32>
    %reduce_min3A_559 = vector.multi_reduction <minimumf>, %select_n3A_557, %reduce_min3A_558 [1] : vector<512x4096xf32> to vector<512xf32>
    %broadcast_in_dim3A_560 = vector.shape_cast %reduce_min3A_559 : vector<512xf32> to vector<512x1xf32>
    %eq3A_561 = vector.broadcast %broadcast_in_dim3A_560 : vector<512x1xf32> to vector<512x4096xf32>
    %eq3A_562 = arith.cmpf oeq, %select_n3A_557, %eq3A_561 : vector<512x4096xf32>
    %jit3A_563 = arith.constant 4096 : i32
    %broadcast_in_dim3A_564 = vector.broadcast %jit3A_563 : i32 to vector<512x4096xi32>
    %select_n3A_565 = arith.select %eq3A_562, %iota3A, %broadcast_in_dim3A_564 : vector<512x4096xi1>, vector<512x4096xi32>
    %reduce_min3A_566 = arith.constant dense<2147483647> : vector<512xi32>
    %reduce_min3A_567 = vector.multi_reduction <minsi>, %select_n3A_565, %reduce_min3A_566 [1] : vector<512x4096xi32> to vector<512xi32>
    %broadcast_in_dim3A_568 = vector.shape_cast %reduce_min3A_567 : vector<512xi32> to vector<512x1xi32>
    %mul3A_569 = arith.constant 4096 : i32
    %mul3A_570 = arith.muli %arg0, %mul3A_569 : i32
    %add3A_571 = vector.broadcast %mul3A_570 : i32 to vector<512x1xi32>
    %add3A_572 = arith.addi %broadcast_in_dim3A_568, %add3A_571 : vector<512x1xi32>
    %swap3A_573 = arith.constant 0 : index
    %swap3A_574 = arith.constant 0 : index
    %swap3A_575 = arith.constant 15 : index
    %swap3A_576 = vector.load %arg4[%swap3A_573, %swap3A_574, %swap3A_575] : memref<1x512x16xi32, #tpu.memory_space<vmem>>, vector<1x512x1xi32>
    %swap3A_577 = vector.shape_cast %swap3A_576 : vector<1x512x1xi32> to vector<512x1xi32>
    %swap3A_578 = vector.shape_cast %add3A_572 : vector<512x1xi32> to vector<1x512x1xi32>
    tpu.vector_store %arg4[%swap3A_573, %swap3A_574, %swap3A_575], %swap3A_578 {strides = array<i32>} : memref<1x512x16xi32, #tpu.memory_space<vmem>>, vector<1x512x1xi32>,
    %add3A_579 = arith.constant 9.99999996E-13 : f32
    %add3A_580 = vector.broadcast %add3A_579 : f32 to vector<512x1xf32>
    %add3A_581 = arith.addf %broadcast_in_dim3A_560, %add3A_580 : vector<512x1xf32>
    %sqrt3A_582 = math.sqrt %add3A_581 : vector<512x1xf32>
    %swap3A_583 = arith.constant 0 : index
    %swap3A_584 = arith.constant 0 : index
    %swap3A_585 = arith.constant 15 : index
    %swap3A_586 = vector.load %arg5[%swap3A_583, %swap3A_584, %swap3A_585] : memref<1x512x16xf32, #tpu.memory_space<vmem>>, vector<1x512x1xf32>
    %swap3A_587 = vector.shape_cast %swap3A_586 : vector<1x512x1xf32> to vector<512x1xf32>
    %swap3A_588 = vector.shape_cast %sqrt3A_582 : vector<512x1xf32> to vector<1x512x1xf32>
    tpu.vector_store %arg5[%swap3A_583, %swap3A_584, %swap3A_585], %swap3A_588 {strides = array<i32>} : memref<1x512x16xf32, #tpu.memory_space<vmem>>, vector<1x512x1xf32>,
    return
  }
  func.func @transform_0(%arg0: i32, %arg1: i32) -> (i32, i32, i32) {
    %c0_i32 = arith.constant 0 : i32
    %c0_i32_0 = arith.constant 0 : i32
    %c0_i32_1 = arith.constant 0 : i32
    return %arg0, %c0_i32, %c0_i32_0 : i32, i32, i32
  }
  func.func @transform_1(%arg0: i32, %arg1: i32) -> (i32, i32, i32) {
    %c0_i32 = arith.constant 0 : i32
    %c0_i32_0 = arith.constant 0 : i32
    %c0_i32_1 = arith.constant 0 : i32
    return %arg0, %c0_i32, %c0_i32_0 : i32, i32, i32
  }
  func.func @transform_2(%arg0: i32, %arg1: i32) -> (i32, i32, i32) {
    %c0_i32 = arith.constant 0 : i32
    %c0_i32_0 = arith.constant 0 : i32
    return %arg0, %arg1, %c0_i32 : i32, i32, i32
  }
  func.func @transform_3(%arg0: i32, %arg1: i32) -> (i32, i32, i32) {
    %c0_i32 = arith.constant 0 : i32
    %c0_i32_0 = arith.constant 0 : i32
    return %arg0, %arg1, %c0_i32 : i32, i32, i32
  }
}

module attributes {stable_mosaic.version = 14 : i64} {
  func.func @_p2a_body(%arg0: i32, %arg1: i32, %arg2: memref<1x512x16x8xf32, #tpu.memory_space<vmem>>, %arg3: memref<1x512x8xf32, #tpu.memory_space<vmem>>, %arg4: memref<1x512x16xf32, #tpu.memory_space<vmem>>, %arg5: memref<24x16xf32, #tpu.memory_space<vmem>>) attributes {dimension_semantics = [#tpu.dimension_semantics<arbitrary>, #tpu.dimension_semantics<arbitrary>], iteration_bounds = array<i64: 2, 8>, scalar_prefetch = 0 : i64, scratch_operands = 0 : i64, tpu.core_type = #tpu.core_type<tc>, window_params = [{transform_indices = @transform_0, window_bounds = array<i64: 1, 512, 16, 8>}, {transform_indices = @transform_1, window_bounds = array<i64: 1, 512, 8>}, {transform_indices = @transform_2, window_bounds = array<i64: 1, 512, 16>}, {pipeline_mode = #tpu.pipeline_mode<synchronous>, transform_indices = @transform_3, window_bounds = array<i64: 24, 16>}]} {
    %get3A = arith.constant 0 : index
    %get3A_0 = arith.constant 0 : index
    %get3A_1 = arith.constant 0 : index
    %get3A_2 = vector.load %arg3[%get3A, %get3A_0, %get3A_1] : memref<1x512x8xf32, #tpu.memory_space<vmem>>, vector<1x512x8xf32>
    %get3A_3 = vector.shape_cast %get3A_2 : vector<1x512x8xf32> to vector<512x8xf32>
    %get3A_4 = arith.constant 0 : index
    %get3A_5 = arith.constant 0 : index
    %get3A_6 = arith.constant 0 : index
    %get3A_7 = arith.constant 0 : index
    %get3A_8 = vector.load %arg2[%get3A_4, %get3A_5, %get3A_6, %get3A_7] : memref<1x512x16x8xf32, #tpu.memory_space<vmem>>, vector<1x512x16x8xf32>
    %get3A_9 = vector.shape_cast %get3A_8 : vector<1x512x16x8xf32> to vector<512x16x8xf32>
    %get3A_10 = arith.constant 0 : index
    %get3A_11 = arith.constant 0 : index
    %get3A_12 = arith.constant 0 : index
    %get3A_13 = vector.load %arg4[%get3A_10, %get3A_11, %get3A_12] : memref<1x512x16xf32, #tpu.memory_space<vmem>>, vector<1x512x16xf32>
    %get3A_14 = vector.shape_cast %get3A_13 : vector<1x512x16xf32> to vector<512x16xf32>
    %slice3A = vector.extract_strided_slice %get3A_3 {offsets = [0, 0], sizes = [512, 3], strides = [1, 1]} : vector<512x8xf32> to vector<512x3xf32>
    %reshape3A = vector.shape_cast %slice3A : vector<512x3xf32> to vector<512x1x3xf32>
    %broadcast_in_dim3A = vector.shape_cast %reshape3A : vector<512x1x3xf32> to vector<512x1x3xf32>
    %broadcast_in_dim3A_15 = vector.broadcast %broadcast_in_dim3A : vector<512x1x3xf32> to vector<512x16x3xf32>
    %slice3A_16 = vector.extract_strided_slice %get3A_9 {offsets = [0, 0, 0], sizes = [512, 16, 3], strides = [1, 1, 1]} : vector<512x16x8xf32> to vector<512x16x3xf32>
    %sub3A = arith.subf %broadcast_in_dim3A_15, %slice3A_16 : vector<512x16x3xf32>
    %reshape3A_17 = vector.shape_cast %get3A_14 : vector<512x16xf32> to vector<512x16x1xf32>
    %broadcast_in_dim3A_18 = arith.constant 0.000000e+00 : f32
    %broadcast_in_dim3A_19 = vector.broadcast %broadcast_in_dim3A_18 : f32 to vector<512x16x6xf32>
    %concatenate3A = tpu.concatenate %broadcast_in_dim3A_15, %slice3A_16, %sub3A, %reshape3A_17, %broadcast_in_dim3A_19 in 2 : vector<512x16x3xf32>, vector<512x16x3xf32>, vector<512x16x3xf32>, vector<512x16x1xf32>, vector<512x16x6xf32> -> vector<512x16x16xf32>
    %reshape3A_20 = vector.shape_cast %concatenate3A : vector<512x16x16xf32> to vector<8192x16xf32>
    %eq3A = arith.constant 0 : i32
    %eq3A_21 = arith.cmpi eq, %arg0, %eq3A : i32
    %eq3A_22 = arith.constant 0 : i32
    %eq3A_23 = arith.cmpi eq, %arg1, %eq3A_22 : i32
    %and3A = arith.andi %eq3A_21, %eq3A_23 : i1
    %convert_element_type3A = arith.extui %and3A : i1 to i32
    %cond3A = arith.constant 0 : i32
    %cond3A_24 = arith.cmpi ne, %convert_element_type3A, %cond3A : i32
    scf.if %cond3A_24 {
      %broadcast_in_dim3A_40 = arith.constant 0.000000e+00 : f32
      %broadcast_in_dim3A_41 = vector.broadcast %broadcast_in_dim3A_40 : f32 to vector<24x16xf32>
      %swap3A_42 = arith.constant 0 : index
      %swap3A_43 = arith.constant 0 : index
      %swap3A_44 = vector.load %arg5[%swap3A_42, %swap3A_43] : memref<24x16xf32, #tpu.memory_space<vmem>>, vector<24x16xf32>
      tpu.vector_store %arg5[%swap3A_42, %swap3A_43], %broadcast_in_dim3A_41 {strides = array<i32>} : memref<24x16xf32, #tpu.memory_space<vmem>>, vector<24x16xf32>,
    } else {
    }
    %get3A_25 = arith.constant 0 : index
    %get3A_26 = arith.constant 0 : index
    %get3A_27 = vector.load %arg5[%get3A_25, %get3A_26] : memref<24x16xf32, #tpu.memory_space<vmem>>, vector<16x16xf32>
    %dot_general3A = arith.constant dense<0.000000e+00> : vector<16x16xf32>
    %dot_general3A_28 = tpu.matmul %reshape3A_20, %reshape3A_20, %dot_general3A {dimension_numbers = #tpu.dot_dimension_numbers<[0], [0], [1], [1], [0, 1, 1, 1], [], []>, precision = #tpu.contract_precision<fp32>, transpose_lhs_hint = false} : vector<8192x16xf32>, vector<8192x16xf32>, vector<16x16xf32> -> vector<16x16xf32>
    %add3A = arith.addf %get3A_27, %dot_general3A_28 : vector<16x16xf32>
    %swap3A = arith.constant 0 : index
    %swap3A_29 = arith.constant 0 : index
    %swap3A_30 = vector.load %arg5[%swap3A, %swap3A_29] : memref<24x16xf32, #tpu.memory_space<vmem>>, vector<16x16xf32>
    tpu.vector_store %arg5[%swap3A, %swap3A_29], %add3A {strides = array<i32>} : memref<24x16xf32, #tpu.memory_space<vmem>>, vector<16x16xf32>,
    %get3A_31 = arith.constant 16 : index
    %get3A_32 = arith.constant 0 : index
    %get3A_33 = vector.load %arg5[%get3A_31, %get3A_32] : memref<24x16xf32, #tpu.memory_space<vmem>>, vector<1x16xf32>
    %reduce_sum3A = arith.constant dense<0.000000e+00> : vector<16xf32>
    %reduce_sum3A_34 = vector.multi_reduction <add>, %reshape3A_20, %reduce_sum3A [0] : vector<8192x16xf32> to vector<16xf32>
    %broadcast_in_dim3A_35 = vector.shape_cast %reduce_sum3A_34 : vector<16xf32> to vector<1x16xf32>
    %add3A_36 = arith.addf %get3A_33, %broadcast_in_dim3A_35 : vector<1x16xf32>
    %swap3A_37 = arith.constant 16 : index
    %swap3A_38 = arith.constant 0 : index
    %swap3A_39 = vector.load %arg5[%swap3A_37, %swap3A_38] : memref<24x16xf32, #tpu.memory_space<vmem>>, vector<1x16xf32>
    tpu.vector_store %arg5[%swap3A_37, %swap3A_38], %add3A_36 {strides = array<i32>} : memref<24x16xf32, #tpu.memory_space<vmem>>, vector<1x16xf32>,
    return
  }
  func.func @transform_0(%arg0: i32, %arg1: i32) -> (i32, i32, i32, i32) {
    %c0_i32 = arith.constant 0 : i32
    %c0_i32_0 = arith.constant 0 : i32
    %c0_i32_1 = arith.constant 0 : i32
    return %arg0, %arg1, %c0_i32, %c0_i32_0 : i32, i32, i32, i32
  }
  func.func @transform_1(%arg0: i32, %arg1: i32) -> (i32, i32, i32) {
    %c0_i32 = arith.constant 0 : i32
    %c0_i32_0 = arith.constant 0 : i32
    return %arg0, %arg1, %c0_i32 : i32, i32, i32
  }
  func.func @transform_2(%arg0: i32, %arg1: i32) -> (i32, i32, i32) {
    %c0_i32 = arith.constant 0 : i32
    %c0_i32_0 = arith.constant 0 : i32
    return %arg0, %arg1, %c0_i32 : i32, i32, i32
  }
  func.func @transform_3(%arg0: i32, %arg1: i32) -> (i32, i32) {
    %c0_i32 = arith.constant 0 : i32
    %c0_i32_0 = arith.constant 0 : i32
    %c0_i32_1 = arith.constant 0 : i32
    return %c0_i32, %c0_i32_0 : i32, i32
  }
}

module attributes {stable_mosaic.version = 14 : i64} {
  func.func @_p2b_body(%arg0: i32, %arg1: i32, %arg2: memref<1x512x16x8xf32, #tpu.memory_space<vmem>>, %arg3: memref<1x512x8xf32, #tpu.memory_space<vmem>>, %arg4: memref<1x512x16xf32, #tpu.memory_space<vmem>>, %arg5: memref<1x512x64xf32, #tpu.memory_space<vmem>>, %arg6: memref<16x64xf32, #tpu.memory_space<vmem>>, %arg7: memref<1x64xf32, #tpu.memory_space<vmem>>, %arg8: memref<16x64xf32, #tpu.memory_space<vmem>>, %arg9: memref<1x64xf32, #tpu.memory_space<vmem>>, %arg10: memref<64x64xf32, #tpu.memory_space<vmem>>, %arg11: memref<64x64xf32, #tpu.memory_space<vmem>>, %arg12: memref<64x64xf32, #tpu.memory_space<vmem>>, %arg13: memref<1x64xf32, #tpu.memory_space<vmem>>, %arg14: memref<64x64xf32, #tpu.memory_space<vmem>>, %arg15: memref<64x64xf32, #tpu.memory_space<vmem>>, %arg16: memref<1x64xf32, #tpu.memory_space<vmem>>, %arg17: memref<64x256xf32, #tpu.memory_space<vmem>>, %arg18: memref<1x256xf32, #tpu.memory_space<vmem>>, %arg19: memref<1x512x64xf32, #tpu.memory_space<vmem>>, %arg20: memref<1x512x64xf32, #tpu.memory_space<vmem>>, %arg21: memref<1x512x256xf32, #tpu.memory_space<vmem>>, %arg22: memref<8x64xf32, #tpu.memory_space<vmem>>, %arg23: memref<8x256xf32, #tpu.memory_space<vmem>>) attributes {dimension_semantics = [#tpu.dimension_semantics<arbitrary>, #tpu.dimension_semantics<arbitrary>], iteration_bounds = array<i64: 2, 8>, scalar_prefetch = 0 : i64, scratch_operands = 0 : i64, tpu.core_type = #tpu.core_type<tc>, window_params = [{transform_indices = @transform_0, window_bounds = array<i64: 1, 512, 16, 8>}, {transform_indices = @transform_1, window_bounds = array<i64: 1, 512, 8>}, {transform_indices = @transform_2, window_bounds = array<i64: 1, 512, 16>}, {transform_indices = @transform_3, window_bounds = array<i64: 1, 512, 64>}, {pipeline_mode = #tpu.pipeline_mode<synchronous>, transform_indices = @transform_4, window_bounds = array<i64: 16, 64>}, {pipeline_mode = #tpu.pipeline_mode<synchronous>, transform_indices = @transform_5, window_bounds = array<i64: 1, 64>}, {pipeline_mode = #tpu.pipeline_mode<synchronous>, transform_indices = @transform_6, window_bounds = array<i64: 16, 64>}, {pipeline_mode = #tpu.pipeline_mode<synchronous>, transform_indices = @transform_7, window_bounds = array<i64: 1, 64>}, {pipeline_mode = #tpu.pipeline_mode<synchronous>, transform_indices = @transform_8, window_bounds = array<i64: 64, 64>}, {pipeline_mode = #tpu.pipeline_mode<synchronous>, transform_indices = @transform_9, window_bounds = array<i64: 64, 64>}, {pipeline_mode = #tpu.pipeline_mode<synchronous>, transform_indices = @transform_10, window_bounds = array<i64: 64, 64>}, {pipeline_mode = #tpu.pipeline_mode<synchronous>, transform_indices = @transform_11, window_bounds = array<i64: 1, 64>}, {pipeline_mode = #tpu.pipeline_mode<synchronous>, transform_indices = @transform_12, window_bounds = array<i64: 64, 64>}, {pipeline_mode = #tpu.pipeline_mode<synchronous>, transform_indices = @transform_13, window_bounds = array<i64: 64, 64>}, {pipeline_mode = #tpu.pipeline_mode<synchronous>, transform_indices = @transform_14, window_bounds = array<i64: 1, 64>}, {pipeline_mode = #tpu.pipeline_mode<synchronous>, transform_indices = @transform_15, window_bounds = array<i64: 64, 256>}, {pipeline_mode = #tpu.pipeline_mode<synchronous>, transform_indices = @transform_16, window_bounds = array<i64: 1, 256>}, {transform_indices = @transform_17, window_bounds = array<i64: 1, 512, 64>}, {transform_indices = @transform_18, window_bounds = array<i64: 1, 512, 64>}, {transform_indices = @transform_19, window_bounds = array<i64: 1, 512, 256>}, {pipeline_mode = #tpu.pipeline_mode<synchronous>, transform_indices = @transform_20, window_bounds = array<i64: 8, 64>}, {pipeline_mode = #tpu.pipeline_mode<synchronous>, transform_indices = @transform_21, window_bounds = array<i64: 8, 256>}]} {
    %get3A = arith.constant 0 : index
    %get3A_0 = arith.constant 0 : index
    %get3A_1 = arith.constant 0 : index
    %get3A_2 = vector.load %arg3[%get3A, %get3A_0, %get3A_1] : memref<1x512x8xf32, #tpu.memory_space<vmem>>, vector<1x512x8xf32>
    %get3A_3 = vector.shape_cast %get3A_2 : vector<1x512x8xf32> to vector<512x8xf32>
    %get3A_4 = arith.constant 0 : index
    %get3A_5 = arith.constant 0 : index
    %get3A_6 = arith.constant 0 : index
    %get3A_7 = arith.constant 0 : index
    %get3A_8 = vector.load %arg2[%get3A_4, %get3A_5, %get3A_6, %get3A_7] : memref<1x512x16x8xf32, #tpu.memory_space<vmem>>, vector<1x512x16x8xf32>
    %get3A_9 = vector.shape_cast %get3A_8 : vector<1x512x16x8xf32> to vector<512x16x8xf32>
    %get3A_10 = arith.constant 0 : index
    %get3A_11 = arith.constant 0 : index
    %get3A_12 = arith.constant 0 : index
    %get3A_13 = vector.load %arg4[%get3A_10, %get3A_11, %get3A_12] : memref<1x512x16xf32, #tpu.memory_space<vmem>>, vector<1x512x16xf32>
    %get3A_14 = vector.shape_cast %get3A_13 : vector<1x512x16xf32> to vector<512x16xf32>
    %slice3A = vector.extract_strided_slice %get3A_3 {offsets = [0, 0], sizes = [512, 3], strides = [1, 1]} : vector<512x8xf32> to vector<512x3xf32>
    %reshape3A = vector.shape_cast %slice3A : vector<512x3xf32> to vector<512x1x3xf32>
    %broadcast_in_dim3A = vector.shape_cast %reshape3A : vector<512x1x3xf32> to vector<512x1x3xf32>
    %broadcast_in_dim3A_15 = vector.broadcast %broadcast_in_dim3A : vector<512x1x3xf32> to vector<512x16x3xf32>
    %slice3A_16 = vector.extract_strided_slice %get3A_9 {offsets = [0, 0, 0], sizes = [512, 16, 3], strides = [1, 1, 1]} : vector<512x16x8xf32> to vector<512x16x3xf32>
    %sub3A = arith.subf %broadcast_in_dim3A_15, %slice3A_16 : vector<512x16x3xf32>
    %reshape3A_17 = vector.shape_cast %get3A_14 : vector<512x16xf32> to vector<512x16x1xf32>
    %broadcast_in_dim3A_18 = arith.constant 0.000000e+00 : f32
    %broadcast_in_dim3A_19 = vector.broadcast %broadcast_in_dim3A_18 : f32 to vector<512x16x6xf32>
    %concatenate3A = tpu.concatenate %broadcast_in_dim3A_15, %slice3A_16, %sub3A, %reshape3A_17, %broadcast_in_dim3A_19 in 2 : vector<512x16x3xf32>, vector<512x16x3xf32>, vector<512x16x3xf32>, vector<512x16x1xf32>, vector<512x16x6xf32> -> vector<512x16x16xf32>
    %reshape3A_20 = vector.shape_cast %concatenate3A : vector<512x16x16xf32> to vector<8192x16xf32>
    %get3A_21 = arith.constant 0 : index
    %get3A_22 = arith.constant 0 : index
    %get3A_23 = vector.load %arg6[%get3A_21, %get3A_22] : memref<16x64xf32, #tpu.memory_space<vmem>>, vector<16x64xf32>
    %dot_general3A = arith.constant dense<0.000000e+00> : vector<8192x64xf32>
    %dot_general3A_24 = tpu.matmul %reshape3A_20, %get3A_23, %dot_general3A {dimension_numbers = #tpu.dot_dimension_numbers<[1], [0], [0], [1], [0, 0, 1, 1], [], []>, transpose_lhs_hint = false} : vector<8192x16xf32>, vector<16x64xf32>, vector<8192x64xf32> -> vector<8192x64xf32>
    %get3A_25 = arith.constant 0 : index
    %get3A_26 = arith.constant 0 : index
    %get3A_27 = vector.load %arg7[%get3A_25, %get3A_26] : memref<1x64xf32, #tpu.memory_space<vmem>>, vector<1x64xf32>
    %add3A = vector.broadcast %get3A_27 : vector<1x64xf32> to vector<8192x64xf32>
    %add3A_28 = arith.addf %dot_general3A_24, %add3A : vector<8192x64xf32>
    %max3A = arith.constant 0.000000e+00 : f32
    %max3A_29 = vector.broadcast %max3A : f32 to vector<8192x64xf32>
    %max3A_30 = arith.maximumf %add3A_28, %max3A_29 : vector<8192x64xf32>
    %get3A_31 = arith.constant 0 : index
    %get3A_32 = arith.constant 0 : index
    %get3A_33 = vector.load %arg8[%get3A_31, %get3A_32] : memref<16x64xf32, #tpu.memory_space<vmem>>, vector<16x64xf32>
    %dot_general3A_34 = arith.constant dense<0.000000e+00> : vector<8192x64xf32>
    %dot_general3A_35 = tpu.matmul %reshape3A_20, %get3A_33, %dot_general3A_34 {dimension_numbers = #tpu.dot_dimension_numbers<[1], [0], [0], [1], [0, 0, 1, 1], [], []>, transpose_lhs_hint = false} : vector<8192x16xf32>, vector<16x64xf32>, vector<8192x64xf32> -> vector<8192x64xf32>
    %get3A_36 = arith.constant 0 : index
    %get3A_37 = arith.constant 0 : index
    %get3A_38 = vector.load %arg9[%get3A_36, %get3A_37] : memref<1x64xf32, #tpu.memory_space<vmem>>, vector<1x64xf32>
    %add3A_39 = vector.broadcast %get3A_38 : vector<1x64xf32> to vector<8192x64xf32>
    %add3A_40 = arith.addf %dot_general3A_35, %add3A_39 : vector<8192x64xf32>
    %max3A_41 = arith.constant 0.000000e+00 : f32
    %max3A_42 = vector.broadcast %max3A_41 : f32 to vector<8192x64xf32>
    %max3A_43 = arith.maximumf %add3A_40, %max3A_42 : vector<8192x64xf32>
    %get3A_44 = arith.constant 0 : index
    %get3A_45 = arith.constant 0 : index
    %get3A_46 = vector.load %arg10[%get3A_44, %get3A_45] : memref<64x64xf32, #tpu.memory_space<vmem>>, vector<64x64xf32>
    %dot_general3A_47 = arith.constant dense<0.000000e+00> : vector<8192x64xf32>
    %dot_general3A_48 = tpu.matmul %max3A_30, %get3A_46, %dot_general3A_47 {dimension_numbers = #tpu.dot_dimension_numbers<[1], [0], [0], [1], [0, 0, 1, 1], [], []>, transpose_lhs_hint = false} : vector<8192x64xf32>, vector<64x64xf32>, vector<8192x64xf32> -> vector<8192x64xf32>
    %reshape3A_49 = vector.shape_cast %dot_general3A_48 : vector<8192x64xf32> to vector<512x16x64xf32>
    %reshape3A_50 = vector.shape_cast %max3A_30 : vector<8192x64xf32> to vector<512x16x64xf32>
    %reduce_max3A = arith.constant dense<0xFF800000> : vector<512x64xf32>
    %reduce_max3A_51 = vector.multi_reduction <maximumf>, %reshape3A_49, %reduce_max3A [1] : vector<512x16x64xf32> to vector<512x64xf32>
    %broadcast_in_dim3A_52 = vector.shape_cast %reduce_max3A_51 : vector<512x64xf32> to vector<512x1x64xf32>
    %sub3A_53 = vector.broadcast %broadcast_in_dim3A_52 : vector<512x1x64xf32> to vector<512x16x64xf32>
    %sub3A_54 = arith.subf %reshape3A_49, %sub3A_53 : vector<512x16x64xf32>
    %exp3A = math.exp %sub3A_54 : vector<512x16x64xf32>
    %reduce_sum3A = arith.constant dense<0.000000e+00> : vector<512x64xf32>
    %reduce_sum3A_55 = vector.multi_reduction <add>, %exp3A, %reduce_sum3A [1] : vector<512x16x64xf32> to vector<512x64xf32>
    %broadcast_in_dim3A_56 = vector.shape_cast %reduce_sum3A_55 : vector<512x64xf32> to vector<512x1x64xf32>
    %div3A = vector.broadcast %broadcast_in_dim3A_56 : vector<512x1x64xf32> to vector<512x16x64xf32>
    %div3A_57 = arith.divf %exp3A, %div3A : vector<512x16x64xf32>
    %mul3A = arith.mulf %div3A_57, %reshape3A_50 : vector<512x16x64xf32>
    %reduce_sum3A_58 = arith.constant dense<0.000000e+00> : vector<512x64xf32>
    %reduce_sum3A_59 = vector.multi_reduction <add>, %mul3A, %reduce_sum3A_58 [1] : vector<512x16x64xf32> to vector<512x64xf32>
    %get3A_60 = arith.constant 0 : index
    %get3A_61 = arith.constant 0 : index
    %get3A_62 = vector.load %arg11[%get3A_60, %get3A_61] : memref<64x64xf32, #tpu.memory_space<vmem>>, vector<64x64xf32>
    %dot_general3A_63 = arith.constant dense<0.000000e+00> : vector<8192x64xf32>
    %dot_general3A_64 = tpu.matmul %max3A_43, %get3A_62, %dot_general3A_63 {dimension_numbers = #tpu.dot_dimension_numbers<[1], [0], [0], [1], [0, 0, 1, 1], [], []>, transpose_lhs_hint = false} : vector<8192x64xf32>, vector<64x64xf32>, vector<8192x64xf32> -> vector<8192x64xf32>
    %reshape3A_65 = vector.shape_cast %dot_general3A_64 : vector<8192x64xf32> to vector<512x16x64xf32>
    %reshape3A_66 = vector.shape_cast %max3A_43 : vector<8192x64xf32> to vector<512x16x64xf32>
    %reduce_max3A_67 = arith.constant dense<0xFF800000> : vector<512x64xf32>
    %reduce_max3A_68 = vector.multi_reduction <maximumf>, %reshape3A_65, %reduce_max3A_67 [1] : vector<512x16x64xf32> to vector<512x64xf32>
    %broadcast_in_dim3A_69 = vector.shape_cast %reduce_max3A_68 : vector<512x64xf32> to vector<512x1x64xf32>
    %sub3A_70 = vector.broadcast %broadcast_in_dim3A_69 : vector<512x1x64xf32> to vector<512x16x64xf32>
    %sub3A_71 = arith.subf %reshape3A_65, %sub3A_70 : vector<512x16x64xf32>
    %exp3A_72 = math.exp %sub3A_71 : vector<512x16x64xf32>
    %reduce_sum3A_73 = arith.constant dense<0.000000e+00> : vector<512x64xf32>
    %reduce_sum3A_74 = vector.multi_reduction <add>, %exp3A_72, %reduce_sum3A_73 [1] : vector<512x16x64xf32> to vector<512x64xf32>
    %broadcast_in_dim3A_75 = vector.shape_cast %reduce_sum3A_74 : vector<512x64xf32> to vector<512x1x64xf32>
    %div3A_76 = vector.broadcast %broadcast_in_dim3A_75 : vector<512x1x64xf32> to vector<512x16x64xf32>
    %div3A_77 = arith.divf %exp3A_72, %div3A_76 : vector<512x16x64xf32>
    %mul3A_78 = arith.mulf %div3A_77, %reshape3A_66 : vector<512x16x64xf32>
    %reduce_sum3A_79 = arith.constant dense<0.000000e+00> : vector<512x64xf32>
    %reduce_sum3A_80 = vector.multi_reduction <add>, %mul3A_78, %reduce_sum3A_79 [1] : vector<512x16x64xf32> to vector<512x64xf32>
    %swap3A = arith.constant 0 : index
    %swap3A_81 = arith.constant 0 : index
    %swap3A_82 = arith.constant 0 : index
    %swap3A_83 = vector.load %arg19[%swap3A, %swap3A_81, %swap3A_82] : memref<1x512x64xf32, #tpu.memory_space<vmem>>, vector<1x512x64xf32>
    %swap3A_84 = vector.shape_cast %swap3A_83 : vector<1x512x64xf32> to vector<512x64xf32>
    %swap3A_85 = vector.shape_cast %reduce_sum3A_80 : vector<512x64xf32> to vector<1x512x64xf32>
    tpu.vector_store %arg19[%swap3A, %swap3A_81, %swap3A_82], %swap3A_85 {strides = array<i32>} : memref<1x512x64xf32, #tpu.memory_space<vmem>>, vector<1x512x64xf32>,
    %get3A_86 = arith.constant 0 : index
    %get3A_87 = arith.constant 0 : index
    %get3A_88 = arith.constant 0 : index
    %get3A_89 = vector.load %arg5[%get3A_86, %get3A_87, %get3A_88] : memref<1x512x64xf32, #tpu.memory_space<vmem>>, vector<1x512x64xf32>
    %get3A_90 = vector.shape_cast %get3A_89 : vector<1x512x64xf32> to vector<512x64xf32>
    %get3A_91 = arith.constant 0 : index
    %get3A_92 = arith.constant 0 : index
    %get3A_93 = vector.load %arg12[%get3A_91, %get3A_92] : memref<64x64xf32, #tpu.memory_space<vmem>>, vector<64x64xf32>
    %dot_general3A_94 = arith.constant dense<0.000000e+00> : vector<512x64xf32>
    %dot_general3A_95 = tpu.matmul %get3A_90, %get3A_93, %dot_general3A_94 {dimension_numbers = #tpu.dot_dimension_numbers<[1], [0], [0], [1], [0, 0, 1, 1], [], []>, transpose_lhs_hint = false} : vector<512x64xf32>, vector<64x64xf32>, vector<512x64xf32> -> vector<512x64xf32>
    %get3A_96 = arith.constant 0 : index
    %get3A_97 = arith.constant 0 : index
    %get3A_98 = vector.load %arg13[%get3A_96, %get3A_97] : memref<1x64xf32, #tpu.memory_space<vmem>>, vector<1x64xf32>
    %add3A_99 = vector.broadcast %get3A_98 : vector<1x64xf32> to vector<512x64xf32>
    %add3A_100 = arith.addf %dot_general3A_95, %add3A_99 : vector<512x64xf32>
    %ge3A = arith.constant 0.000000e+00 : f32
    %ge3A_101 = vector.broadcast %ge3A : f32 to vector<512x64xf32>
    %ge3A_102 = arith.cmpf oge, %add3A_100, %ge3A_101 : vector<512x64xf32>
    %mul3A_103 = arith.constant 2.000000e-01 : f32
    %mul3A_104 = vector.broadcast %mul3A_103 : f32 to vector<512x64xf32>
    %mul3A_105 = arith.mulf %mul3A_104, %add3A_100 : vector<512x64xf32>
    %select_n3A = arith.select %ge3A_102, %add3A_100, %mul3A_105 : vector<512x64xi1>, vector<512x64xf32>
    %get3A_106 = arith.constant 0 : index
    %get3A_107 = arith.constant 0 : index
    %get3A_108 = vector.load %arg14[%get3A_106, %get3A_107] : memref<64x64xf32, #tpu.memory_space<vmem>>, vector<64x64xf32>
    %dot_general3A_109 = arith.constant dense<0.000000e+00> : vector<512x64xf32>
    %dot_general3A_110 = tpu.matmul %reduce_sum3A_59, %get3A_108, %dot_general3A_109 {dimension_numbers = #tpu.dot_dimension_numbers<[1], [0], [0], [1], [0, 0, 1, 1], [], []>, transpose_lhs_hint = false} : vector<512x64xf32>, vector<64x64xf32>, vector<512x64xf32> -> vector<512x64xf32>
    %get3A_111 = arith.constant 0 : index
    %get3A_112 = arith.constant 0 : index
    %get3A_113 = vector.load %arg15[%get3A_111, %get3A_112] : memref<64x64xf32, #tpu.memory_space<vmem>>, vector<64x64xf32>
    %dot_general3A_114 = arith.constant dense<0.000000e+00> : vector<512x64xf32>
    %dot_general3A_115 = tpu.matmul %select_n3A, %get3A_113, %dot_general3A_114 {dimension_numbers = #tpu.dot_dimension_numbers<[1], [0], [0], [1], [0, 0, 1, 1], [], []>, transpose_lhs_hint = false} : vector<512x64xf32>, vector<64x64xf32>, vector<512x64xf32> -> vector<512x64xf32>
    %add3A_116 = arith.addf %dot_general3A_110, %dot_general3A_115 : vector<512x64xf32>
    %get3A_117 = arith.constant 0 : index
    %get3A_118 = arith.constant 0 : index
    %get3A_119 = vector.load %arg16[%get3A_117, %get3A_118] : memref<1x64xf32, #tpu.memory_space<vmem>>, vector<1x64xf32>
    %add3A_120 = vector.broadcast %get3A_119 : vector<1x64xf32> to vector<512x64xf32>
    %add3A_121 = arith.addf %add3A_116, %add3A_120 : vector<512x64xf32>
    %swap3A_122 = arith.constant 0 : index
    %swap3A_123 = arith.constant 0 : index
    %swap3A_124 = arith.constant 0 : index
    %swap3A_125 = vector.load %arg20[%swap3A_122, %swap3A_123, %swap3A_124] : memref<1x512x64xf32, #tpu.memory_space<vmem>>, vector<1x512x64xf32>
    %swap3A_126 = vector.shape_cast %swap3A_125 : vector<1x512x64xf32> to vector<512x64xf32>
    %swap3A_127 = vector.shape_cast %add3A_121 : vector<512x64xf32> to vector<1x512x64xf32>
    tpu.vector_store %arg20[%swap3A_122, %swap3A_123, %swap3A_124], %swap3A_127 {strides = array<i32>} : memref<1x512x64xf32, #tpu.memory_space<vmem>>, vector<1x512x64xf32>,
    %get3A_128 = arith.constant 0 : index
    %get3A_129 = arith.constant 0 : index
    %get3A_130 = vector.load %arg17[%get3A_128, %get3A_129] : memref<64x256xf32, #tpu.memory_space<vmem>>, vector<64x256xf32>
    %dot_general3A_131 = arith.constant dense<0.000000e+00> : vector<512x256xf32>
    %dot_general3A_132 = tpu.matmul %get3A_90, %get3A_130, %dot_general3A_131 {dimension_numbers = #tpu.dot_dimension_numbers<[1], [0], [0], [1], [0, 0, 1, 1], [], []>, transpose_lhs_hint = false} : vector<512x64xf32>, vector<64x256xf32>, vector<512x256xf32> -> vector<512x256xf32>
    %get3A_133 = arith.constant 0 : index
    %get3A_134 = arith.constant 0 : index
    %get3A_135 = vector.load %arg18[%get3A_133, %get3A_134] : memref<1x256xf32, #tpu.memory_space<vmem>>, vector<1x256xf32>
    %add3A_136 = vector.broadcast %get3A_135 : vector<1x256xf32> to vector<512x256xf32>
    %add3A_137 = arith.addf %dot_general3A_132, %add3A_136 : vector<512x256xf32>
    %swap3A_138 = arith.constant 0 : index
    %swap3A_139 = arith.constant 0 : index
    %swap3A_140 = arith.constant 0 : index
    %swap3A_141 = vector.load %arg21[%swap3A_138, %swap3A_139, %swap3A_140] : memref<1x512x256xf32, #tpu.memory_space<vmem>>, vector<1x512x256xf32>
    %swap3A_142 = vector.shape_cast %swap3A_141 : vector<1x512x256xf32> to vector<512x256xf32>
    %swap3A_143 = vector.shape_cast %add3A_137 : vector<512x256xf32> to vector<1x512x256xf32>
    tpu.vector_store %arg21[%swap3A_138, %swap3A_139, %swap3A_140], %swap3A_143 {strides = array<i32>} : memref<1x512x256xf32, #tpu.memory_space<vmem>>, vector<1x512x256xf32>,
    %eq3A = arith.constant 0 : i32
    %eq3A_144 = arith.cmpi eq, %arg0, %eq3A : i32
    %eq3A_145 = arith.constant 0 : i32
    %eq3A_146 = arith.cmpi eq, %arg1, %eq3A_145 : i32
    %and3A = arith.andi %eq3A_144, %eq3A_146 : i1
    %convert_element_type3A = arith.extui %and3A : i1 to i32
    %cond3A = arith.constant 0 : i32
    %cond3A_147 = arith.cmpi ne, %convert_element_type3A, %cond3A : i32
    scf.if %cond3A_147 {
      %broadcast_in_dim3A_190 = arith.constant 0.000000e+00 : f32
      %broadcast_in_dim3A_191 = vector.broadcast %broadcast_in_dim3A_190 : f32 to vector<8x64xf32>
      %swap3A_192 = arith.constant 0 : index
      %swap3A_193 = arith.constant 0 : index
      %swap3A_194 = vector.load %arg22[%swap3A_192, %swap3A_193] : memref<8x64xf32, #tpu.memory_space<vmem>>, vector<8x64xf32>
      tpu.vector_store %arg22[%swap3A_192, %swap3A_193], %broadcast_in_dim3A_191 {strides = array<i32>} : memref<8x64xf32, #tpu.memory_space<vmem>>, vector<8x64xf32>,
      %broadcast_in_dim3A_195 = arith.constant 0.000000e+00 : f32
      %broadcast_in_dim3A_196 = vector.broadcast %broadcast_in_dim3A_195 : f32 to vector<8x256xf32>
      %swap3A_197 = arith.constant 0 : index
      %swap3A_198 = arith.constant 0 : index
      %swap3A_199 = vector.load %arg23[%swap3A_197, %swap3A_198] : memref<8x256xf32, #tpu.memory_space<vmem>>, vector<8x256xf32>
      tpu.vector_store %arg23[%swap3A_197, %swap3A_198], %broadcast_in_dim3A_196 {strides = array<i32>} : memref<8x256xf32, #tpu.memory_space<vmem>>, vector<8x256xf32>,
    } else {
    }
    %get3A_148 = arith.constant 0 : index
    %get3A_149 = arith.constant 0 : index
    %get3A_150 = vector.load %arg22[%get3A_148, %get3A_149] : memref<8x64xf32, #tpu.memory_space<vmem>>, vector<1x64xf32>
    %reduce_sum3A_151 = arith.constant dense<0.000000e+00> : vector<64xf32>
    %reduce_sum3A_152 = vector.multi_reduction <add>, %add3A_121, %reduce_sum3A_151 [0] : vector<512x64xf32> to vector<64xf32>
    %broadcast_in_dim3A_153 = vector.shape_cast %reduce_sum3A_152 : vector<64xf32> to vector<1x64xf32>
    %add3A_154 = arith.addf %get3A_150, %broadcast_in_dim3A_153 : vector<1x64xf32>
    %swap3A_155 = arith.constant 0 : index
    %swap3A_156 = arith.constant 0 : index
    %swap3A_157 = vector.load %arg22[%swap3A_155, %swap3A_156] : memref<8x64xf32, #tpu.memory_space<vmem>>, vector<1x64xf32>
    tpu.vector_store %arg22[%swap3A_155, %swap3A_156], %add3A_154 {strides = array<i32>} : memref<8x64xf32, #tpu.memory_space<vmem>>, vector<1x64xf32>,
    %get3A_158 = arith.constant 1 : index
    %get3A_159 = arith.constant 0 : index
    %get3A_160 = vector.load %arg22[%get3A_158, %get3A_159] : memref<8x64xf32, #tpu.memory_space<vmem>>, vector<1x64xf32>
    %mul3A_161 = arith.mulf %add3A_121, %add3A_121 : vector<512x64xf32>
    %reduce_sum3A_162 = arith.constant dense<0.000000e+00> : vector<64xf32>
    %reduce_sum3A_163 = vector.multi_reduction <add>, %mul3A_161, %reduce_sum3A_162 [0] : vector<512x64xf32> to vector<64xf32>
    %broadcast_in_dim3A_164 = vector.shape_cast %reduce_sum3A_163 : vector<64xf32> to vector<1x64xf32>
    %add3A_165 = arith.addf %get3A_160, %broadcast_in_dim3A_164 : vector<1x64xf32>
    %swap3A_166 = arith.constant 1 : index
    %swap3A_167 = arith.constant 0 : index
    %swap3A_168 = vector.load %arg22[%swap3A_166, %swap3A_167] : memref<8x64xf32, #tpu.memory_space<vmem>>, vector<1x64xf32>
    tpu.vector_store %arg22[%swap3A_166, %swap3A_167], %add3A_165 {strides = array<i32>} : memref<8x64xf32, #tpu.memory_space<vmem>>, vector<1x64xf32>,
    %get3A_169 = arith.constant 0 : index
    %get3A_170 = arith.constant 0 : index
    %get3A_171 = vector.load %arg23[%get3A_169, %get3A_170] : memref<8x256xf32, #tpu.memory_space<vmem>>, vector<1x256xf32>
    %reduce_sum3A_172 = arith.constant dense<0.000000e+00> : vector<256xf32>
    %reduce_sum3A_173 = vector.multi_reduction <add>, %add3A_137, %reduce_sum3A_172 [0] : vector<512x256xf32> to vector<256xf32>
    %broadcast_in_dim3A_174 = vector.shape_cast %reduce_sum3A_173 : vector<256xf32> to vector<1x256xf32>
    %add3A_175 = arith.addf %get3A_171, %broadcast_in_dim3A_174 : vector<1x256xf32>
    %swap3A_176 = arith.constant 0 : index
    %swap3A_177 = arith.constant 0 : index
    %swap3A_178 = vector.load %arg23[%swap3A_176, %swap3A_177] : memref<8x256xf32, #tpu.memory_space<vmem>>, vector<1x256xf32>
    tpu.vector_store %arg23[%swap3A_176, %swap3A_177], %add3A_175 {strides = array<i32>} : memref<8x256xf32, #tpu.memory_space<vmem>>, vector<1x256xf32>,
    %get3A_179 = arith.constant 1 : index
    %get3A_180 = arith.constant 0 : index
    %get3A_181 = vector.load %arg23[%get3A_179, %get3A_180] : memref<8x256xf32, #tpu.memory_space<vmem>>, vector<1x256xf32>
    %mul3A_182 = arith.mulf %add3A_137, %add3A_137 : vector<512x256xf32>
    %reduce_sum3A_183 = arith.constant dense<0.000000e+00> : vector<256xf32>
    %reduce_sum3A_184 = vector.multi_reduction <add>, %mul3A_182, %reduce_sum3A_183 [0] : vector<512x256xf32> to vector<256xf32>
    %broadcast_in_dim3A_185 = vector.shape_cast %reduce_sum3A_184 : vector<256xf32> to vector<1x256xf32>
    %add3A_186 = arith.addf %get3A_181, %broadcast_in_dim3A_185 : vector<1x256xf32>
    %swap3A_187 = arith.constant 1 : index
    %swap3A_188 = arith.constant 0 : index
    %swap3A_189 = vector.load %arg23[%swap3A_187, %swap3A_188] : memref<8x256xf32, #tpu.memory_space<vmem>>, vector<1x256xf32>
    tpu.vector_store %arg23[%swap3A_187, %swap3A_188], %add3A_186 {strides = array<i32>} : memref<8x256xf32, #tpu.memory_space<vmem>>, vector<1x256xf32>,
    return
  }
  func.func @transform_0(%arg0: i32, %arg1: i32) -> (i32, i32, i32, i32) {
    %c0_i32 = arith.constant 0 : i32
    %c0_i32_0 = arith.constant 0 : i32
    %c0_i32_1 = arith.constant 0 : i32
    return %arg0, %arg1, %c0_i32, %c0_i32_0 : i32, i32, i32, i32
  }
  func.func @transform_1(%arg0: i32, %arg1: i32) -> (i32, i32, i32) {
    %c0_i32 = arith.constant 0 : i32
    %c0_i32_0 = arith.constant 0 : i32
    return %arg0, %arg1, %c0_i32 : i32, i32, i32
  }
  func.func @transform_2(%arg0: i32, %arg1: i32) -> (i32, i32, i32) {
    %c0_i32 = arith.constant 0 : i32
    %c0_i32_0 = arith.constant 0 : i32
    return %arg0, %arg1, %c0_i32 : i32, i32, i32
  }
  func.func @transform_3(%arg0: i32, %arg1: i32) -> (i32, i32, i32) {
    %c0_i32 = arith.constant 0 : i32
    %c0_i32_0 = arith.constant 0 : i32
    return %arg0, %arg1, %c0_i32 : i32, i32, i32
  }
  func.func @transform_4(%arg0: i32, %arg1: i32) -> (i32, i32) {
    %c0_i32 = arith.constant 0 : i32
    %c0_i32_0 = arith.constant 0 : i32
    %c0_i32_1 = arith.constant 0 : i32
    return %c0_i32, %c0_i32_0 : i32, i32
  }
  func.func @transform_5(%arg0: i32, %arg1: i32) -> (i32, i32) {
    %c0_i32 = arith.constant 0 : i32
    %c0_i32_0 = arith.constant 0 : i32
    %c0_i32_1 = arith.constant 0 : i32
    return %c0_i32, %c0_i32_0 : i32, i32
  }
  func.func @transform_6(%arg0: i32, %arg1: i32) -> (i32, i32) {
    %c0_i32 = arith.constant 0 : i32
    %c0_i32_0 = arith.constant 0 : i32
    %c0_i32_1 = arith.constant 0 : i32
    return %c0_i32, %c0_i32_0 : i32, i32
  }
  func.func @transform_7(%arg0: i32, %arg1: i32) -> (i32, i32) {
    %c0_i32 = arith.constant 0 : i32
    %c0_i32_0 = arith.constant 0 : i32
    %c0_i32_1 = arith.constant 0 : i32
    return %c0_i32, %c0_i32_0 : i32, i32
  }
  func.func @transform_8(%arg0: i32, %arg1: i32) -> (i32, i32) {
    %c0_i32 = arith.constant 0 : i32
    %c0_i32_0 = arith.constant 0 : i32
    %c0_i32_1 = arith.constant 0 : i32
    return %c0_i32, %c0_i32_0 : i32, i32
  }
  func.func @transform_9(%arg0: i32, %arg1: i32) -> (i32, i32) {
    %c0_i32 = arith.constant 0 : i32
    %c0_i32_0 = arith.constant 0 : i32
    %c0_i32_1 = arith.constant 0 : i32
    return %c0_i32, %c0_i32_0 : i32, i32
  }
  func.func @transform_10(%arg0: i32, %arg1: i32) -> (i32, i32) {
    %c0_i32 = arith.constant 0 : i32
    %c0_i32_0 = arith.constant 0 : i32
    %c0_i32_1 = arith.constant 0 : i32
    return %c0_i32, %c0_i32_0 : i32, i32
  }
  func.func @transform_11(%arg0: i32, %arg1: i32) -> (i32, i32) {
    %c0_i32 = arith.constant 0 : i32
    %c0_i32_0 = arith.constant 0 : i32
    %c0_i32_1 = arith.constant 0 : i32
    return %c0_i32, %c0_i32_0 : i32, i32
  }
  func.func @transform_12(%arg0: i32, %arg1: i32) -> (i32, i32) {
    %c0_i32 = arith.constant 0 : i32
    %c0_i32_0 = arith.constant 0 : i32
    %c0_i32_1 = arith.constant 0 : i32
    return %c0_i32, %c0_i32_0 : i32, i32
  }
  func.func @transform_13(%arg0: i32, %arg1: i32) -> (i32, i32) {
    %c0_i32 = arith.constant 0 : i32
    %c0_i32_0 = arith.constant 0 : i32
    %c0_i32_1 = arith.constant 0 : i32
    return %c0_i32, %c0_i32_0 : i32, i32
  }
  func.func @transform_14(%arg0: i32, %arg1: i32) -> (i32, i32) {
    %c0_i32 = arith.constant 0 : i32
    %c0_i32_0 = arith.constant 0 : i32
    %c0_i32_1 = arith.constant 0 : i32
    return %c0_i32, %c0_i32_0 : i32, i32
  }
  func.func @transform_15(%arg0: i32, %arg1: i32) -> (i32, i32) {
    %c0_i32 = arith.constant 0 : i32
    %c0_i32_0 = arith.constant 0 : i32
    %c0_i32_1 = arith.constant 0 : i32
    return %c0_i32, %c0_i32_0 : i32, i32
  }
  func.func @transform_16(%arg0: i32, %arg1: i32) -> (i32, i32) {
    %c0_i32 = arith.constant 0 : i32
    %c0_i32_0 = arith.constant 0 : i32
    %c0_i32_1 = arith.constant 0 : i32
    return %c0_i32, %c0_i32_0 : i32, i32
  }
  func.func @transform_17(%arg0: i32, %arg1: i32) -> (i32, i32, i32) {
    %c0_i32 = arith.constant 0 : i32
    %c0_i32_0 = arith.constant 0 : i32
    return %arg0, %arg1, %c0_i32 : i32, i32, i32
  }
  func.func @transform_18(%arg0: i32, %arg1: i32) -> (i32, i32, i32) {
    %c0_i32 = arith.constant 0 : i32
    %c0_i32_0 = arith.constant 0 : i32
    return %arg0, %arg1, %c0_i32 : i32, i32, i32
  }
  func.func @transform_19(%arg0: i32, %arg1: i32) -> (i32, i32, i32) {
    %c0_i32 = arith.constant 0 : i32
    %c0_i32_0 = arith.constant 0 : i32
    return %arg0, %arg1, %c0_i32 : i32, i32, i32
  }
  func.func @transform_20(%arg0: i32, %arg1: i32) -> (i32, i32) {
    %c0_i32 = arith.constant 0 : i32
    %c0_i32_0 = arith.constant 0 : i32
    %c0_i32_1 = arith.constant 0 : i32
    return %c0_i32, %c0_i32_0 : i32, i32
  }
  func.func @transform_21(%arg0: i32, %arg1: i32) -> (i32, i32) {
    %c0_i32 = arith.constant 0 : i32
    %c0_i32_0 = arith.constant 0 : i32
    %c0_i32_1 = arith.constant 0 : i32
    return %c0_i32, %c0_i32_0 : i32, i32
  }
}

module attributes {stable_mosaic.version = 14 : i64} {
  func.func @_p3_body(%arg0: i32, %arg1: i32, %arg2: memref<1x2048x64xf32, #tpu.memory_space<vmem>>, %arg3: memref<1x2048x64xf32, #tpu.memory_space<vmem>>, %arg4: memref<64x128xf32, #tpu.memory_space<vmem>>, %arg5: memref<64x128xf32, #tpu.memory_space<vmem>>, %arg6: memref<1x128xf32, #tpu.memory_space<vmem>>, %arg7: memref<1x64xf32, #tpu.memory_space<vmem>>, %arg8: memref<1x64xf32, #tpu.memory_space<vmem>>, %arg9: memref<1x2048x128xf32, #tpu.memory_space<vmem>>, %arg10: memref<8x128xf32, #tpu.memory_space<vmem>>) attributes {dimension_semantics = [#tpu.dimension_semantics<arbitrary>, #tpu.dimension_semantics<arbitrary>], iteration_bounds = array<i64: 2, 2>, scalar_prefetch = 0 : i64, scratch_operands = 0 : i64, tpu.core_type = #tpu.core_type<tc>, window_params = [{transform_indices = @transform_0, window_bounds = array<i64: 1, 2048, 64>}, {transform_indices = @transform_1, window_bounds = array<i64: 1, 2048, 64>}, {pipeline_mode = #tpu.pipeline_mode<synchronous>, transform_indices = @transform_2, window_bounds = array<i64: 64, 128>}, {pipeline_mode = #tpu.pipeline_mode<synchronous>, transform_indices = @transform_3, window_bounds = array<i64: 64, 128>}, {pipeline_mode = #tpu.pipeline_mode<synchronous>, transform_indices = @transform_4, window_bounds = array<i64: 1, 128>}, {pipeline_mode = #tpu.pipeline_mode<synchronous>, transform_indices = @transform_5, window_bounds = array<i64: 1, 64>}, {pipeline_mode = #tpu.pipeline_mode<synchronous>, transform_indices = @transform_6, window_bounds = array<i64: 1, 64>}, {transform_indices = @transform_7, window_bounds = array<i64: 1, 2048, 128>}, {pipeline_mode = #tpu.pipeline_mode<synchronous>, transform_indices = @transform_8, window_bounds = array<i64: 8, 128>}]} {
    %get3A = arith.constant 0 : index
    %get3A_0 = arith.constant 0 : index
    %get3A_1 = arith.constant 0 : index
    %get3A_2 = vector.load %arg2[%get3A, %get3A_0, %get3A_1] : memref<1x2048x64xf32, #tpu.memory_space<vmem>>, vector<1x2048x64xf32>
    %get3A_3 = vector.shape_cast %get3A_2 : vector<1x2048x64xf32> to vector<2048x64xf32>
    %get3A_4 = arith.constant 0 : index
    %get3A_5 = arith.constant 0 : index
    %get3A_6 = vector.load %arg7[%get3A_4, %get3A_5] : memref<1x64xf32, #tpu.memory_space<vmem>>, vector<1x64xf32>
    %mul3A = vector.broadcast %get3A_6 : vector<1x64xf32> to vector<2048x64xf32>
    %mul3A_7 = arith.mulf %get3A_3, %mul3A : vector<2048x64xf32>
    %get3A_8 = arith.constant 0 : index
    %get3A_9 = arith.constant 0 : index
    %get3A_10 = vector.load %arg8[%get3A_8, %get3A_9] : memref<1x64xf32, #tpu.memory_space<vmem>>, vector<1x64xf32>
    %add3A = vector.broadcast %get3A_10 : vector<1x64xf32> to vector<2048x64xf32>
    %add3A_11 = arith.addf %mul3A_7, %add3A : vector<2048x64xf32>
    %max3A = arith.constant 0.000000e+00 : f32
    %max3A_12 = vector.broadcast %max3A : f32 to vector<2048x64xf32>
    %max3A_13 = arith.maximumf %add3A_11, %max3A_12 : vector<2048x64xf32>
    %get3A_14 = arith.constant 0 : index
    %get3A_15 = arith.constant 0 : index
    %get3A_16 = arith.constant 0 : index
    %get3A_17 = vector.load %arg3[%get3A_14, %get3A_15, %get3A_16] : memref<1x2048x64xf32, #tpu.memory_space<vmem>>, vector<1x2048x64xf32>
    %get3A_18 = vector.shape_cast %get3A_17 : vector<1x2048x64xf32> to vector<2048x64xf32>
    %get3A_19 = arith.constant 0 : index
    %get3A_20 = arith.constant 0 : index
    %get3A_21 = vector.load %arg4[%get3A_19, %get3A_20] : memref<64x128xf32, #tpu.memory_space<vmem>>, vector<64x128xf32>
    %dot_general3A = arith.constant dense<0.000000e+00> : vector<2048x128xf32>
    %dot_general3A_22 = tpu.matmul %get3A_18, %get3A_21, %dot_general3A {dimension_numbers = #tpu.dot_dimension_numbers<[1], [0], [0], [1], [0, 0, 1, 1], [], []>, transpose_lhs_hint = false} : vector<2048x64xf32>, vector<64x128xf32>, vector<2048x128xf32> -> vector<2048x128xf32>
    %get3A_23 = arith.constant 0 : index
    %get3A_24 = arith.constant 0 : index
    %get3A_25 = vector.load %arg5[%get3A_23, %get3A_24] : memref<64x128xf32, #tpu.memory_space<vmem>>, vector<64x128xf32>
    %dot_general3A_26 = arith.constant dense<0.000000e+00> : vector<2048x128xf32>
    %dot_general3A_27 = tpu.matmul %max3A_13, %get3A_25, %dot_general3A_26 {dimension_numbers = #tpu.dot_dimension_numbers<[1], [0], [0], [1], [0, 0, 1, 1], [], []>, transpose_lhs_hint = false} : vector<2048x64xf32>, vector<64x128xf32>, vector<2048x128xf32> -> vector<2048x128xf32>
    %add3A_28 = arith.addf %dot_general3A_22, %dot_general3A_27 : vector<2048x128xf32>
    %get3A_29 = arith.constant 0 : index
    %get3A_30 = arith.constant 0 : index
    %get3A_31 = vector.load %arg6[%get3A_29, %get3A_30] : memref<1x128xf32, #tpu.memory_space<vmem>>, vector<1x128xf32>
    %add3A_32 = vector.broadcast %get3A_31 : vector<1x128xf32> to vector<2048x128xf32>
    %add3A_33 = arith.addf %add3A_28, %add3A_32 : vector<2048x128xf32>
    %swap3A = arith.constant 0 : index
    %swap3A_34 = arith.constant 0 : index
    %swap3A_35 = arith.constant 0 : index
    %swap3A_36 = vector.load %arg9[%swap3A, %swap3A_34, %swap3A_35] : memref<1x2048x128xf32, #tpu.memory_space<vmem>>, vector<1x2048x128xf32>
    %swap3A_37 = vector.shape_cast %swap3A_36 : vector<1x2048x128xf32> to vector<2048x128xf32>
    %swap3A_38 = vector.shape_cast %add3A_33 : vector<2048x128xf32> to vector<1x2048x128xf32>
    tpu.vector_store %arg9[%swap3A, %swap3A_34, %swap3A_35], %swap3A_38 {strides = array<i32>} : memref<1x2048x128xf32, #tpu.memory_space<vmem>>, vector<1x2048x128xf32>,
    %eq3A = arith.constant 0 : i32
    %eq3A_39 = arith.cmpi eq, %arg0, %eq3A : i32
    %eq3A_40 = arith.constant 0 : i32
    %eq3A_41 = arith.cmpi eq, %arg1, %eq3A_40 : i32
    %and3A = arith.andi %eq3A_39, %eq3A_41 : i1
    %convert_element_type3A = arith.extui %and3A : i1 to i32
    %cond3A = arith.constant 0 : i32
    %cond3A_42 = arith.cmpi ne, %convert_element_type3A, %cond3A : i32
    scf.if %cond3A_42 {
      %broadcast_in_dim3A_62 = arith.constant 0.000000e+00 : f32
      %broadcast_in_dim3A_63 = vector.broadcast %broadcast_in_dim3A_62 : f32 to vector<8x128xf32>
      %swap3A_64 = arith.constant 0 : index
      %swap3A_65 = arith.constant 0 : index
      %swap3A_66 = vector.load %arg10[%swap3A_64, %swap3A_65] : memref<8x128xf32, #tpu.memory_space<vmem>>, vector<8x128xf32>
      tpu.vector_store %arg10[%swap3A_64, %swap3A_65], %broadcast_in_dim3A_63 {strides = array<i32>} : memref<8x128xf32, #tpu.memory_space<vmem>>, vector<8x128xf32>,
    } else {
    }
    %get3A_43 = arith.constant 0 : index
    %get3A_44 = arith.constant 0 : index
    %get3A_45 = vector.load %arg10[%get3A_43, %get3A_44] : memref<8x128xf32, #tpu.memory_space<vmem>>, vector<1x128xf32>
    %reduce_sum3A = arith.constant dense<0.000000e+00> : vector<128xf32>
    %reduce_sum3A_46 = vector.multi_reduction <add>, %add3A_33, %reduce_sum3A [0] : vector<2048x128xf32> to vector<128xf32>
    %broadcast_in_dim3A = vector.shape_cast %reduce_sum3A_46 : vector<128xf32> to vector<1x128xf32>
    %add3A_47 = arith.addf %get3A_45, %broadcast_in_dim3A : vector<1x128xf32>
    %swap3A_48 = arith.constant 0 : index
    %swap3A_49 = arith.constant 0 : index
    %swap3A_50 = vector.load %arg10[%swap3A_48, %swap3A_49] : memref<8x128xf32, #tpu.memory_space<vmem>>, vector<1x128xf32>
    tpu.vector_store %arg10[%swap3A_48, %swap3A_49], %add3A_47 {strides = array<i32>} : memref<8x128xf32, #tpu.memory_space<vmem>>, vector<1x128xf32>,
    %get3A_51 = arith.constant 1 : index
    %get3A_52 = arith.constant 0 : index
    %get3A_53 = vector.load %arg10[%get3A_51, %get3A_52] : memref<8x128xf32, #tpu.memory_space<vmem>>, vector<1x128xf32>
    %mul3A_54 = arith.mulf %add3A_33, %add3A_33 : vector<2048x128xf32>
    %reduce_sum3A_55 = arith.constant dense<0.000000e+00> : vector<128xf32>
    %reduce_sum3A_56 = vector.multi_reduction <add>, %mul3A_54, %reduce_sum3A_55 [0] : vector<2048x128xf32> to vector<128xf32>
    %broadcast_in_dim3A_57 = vector.shape_cast %reduce_sum3A_56 : vector<128xf32> to vector<1x128xf32>
    %add3A_58 = arith.addf %get3A_53, %broadcast_in_dim3A_57 : vector<1x128xf32>
    %swap3A_59 = arith.constant 1 : index
    %swap3A_60 = arith.constant 0 : index
    %swap3A_61 = vector.load %arg10[%swap3A_59, %swap3A_60] : memref<8x128xf32, #tpu.memory_space<vmem>>, vector<1x128xf32>
    tpu.vector_store %arg10[%swap3A_59, %swap3A_60], %add3A_58 {strides = array<i32>} : memref<8x128xf32, #tpu.memory_space<vmem>>, vector<1x128xf32>,
    return
  }
  func.func @transform_0(%arg0: i32, %arg1: i32) -> (i32, i32, i32) {
    %c0_i32 = arith.constant 0 : i32
    %c0_i32_0 = arith.constant 0 : i32
    return %arg0, %arg1, %c0_i32 : i32, i32, i32
  }
  func.func @transform_1(%arg0: i32, %arg1: i32) -> (i32, i32, i32) {
    %c0_i32 = arith.constant 0 : i32
    %c0_i32_0 = arith.constant 0 : i32
    return %arg0, %arg1, %c0_i32 : i32, i32, i32
  }
  func.func @transform_2(%arg0: i32, %arg1: i32) -> (i32, i32) {
    %c0_i32 = arith.constant 0 : i32
    %c0_i32_0 = arith.constant 0 : i32
    %c0_i32_1 = arith.constant 0 : i32
    return %c0_i32, %c0_i32_0 : i32, i32
  }
  func.func @transform_3(%arg0: i32, %arg1: i32) -> (i32, i32) {
    %c0_i32 = arith.constant 0 : i32
    %c0_i32_0 = arith.constant 0 : i32
    %c0_i32_1 = arith.constant 0 : i32
    return %c0_i32, %c0_i32_0 : i32, i32
  }
  func.func @transform_4(%arg0: i32, %arg1: i32) -> (i32, i32) {
    %c0_i32 = arith.constant 0 : i32
    %c0_i32_0 = arith.constant 0 : i32
    %c0_i32_1 = arith.constant 0 : i32
    return %c0_i32, %c0_i32_0 : i32, i32
  }
  func.func @transform_5(%arg0: i32, %arg1: i32) -> (i32, i32) {
    %c0_i32 = arith.constant 0 : i32
    %c0_i32_0 = arith.constant 0 : i32
    %c0_i32_1 = arith.constant 0 : i32
    return %c0_i32, %c0_i32_0 : i32, i32
  }
  func.func @transform_6(%arg0: i32, %arg1: i32) -> (i32, i32) {
    %c0_i32 = arith.constant 0 : i32
    %c0_i32_0 = arith.constant 0 : i32
    %c0_i32_1 = arith.constant 0 : i32
    return %c0_i32, %c0_i32_0 : i32, i32
  }
  func.func @transform_7(%arg0: i32, %arg1: i32) -> (i32, i32, i32) {
    %c0_i32 = arith.constant 0 : i32
    %c0_i32_0 = arith.constant 0 : i32
    return %arg0, %arg1, %c0_i32 : i32, i32, i32
  }
  func.func @transform_8(%arg0: i32, %arg1: i32) -> (i32, i32) {
    %c0_i32 = arith.constant 0 : i32
    %c0_i32_0 = arith.constant 0 : i32
    %c0_i32_1 = arith.constant 0 : i32
    return %c0_i32, %c0_i32_0 : i32, i32
  }
}

module attributes {stable_mosaic.version = 14 : i64} {
  func.func @_p4_body(%arg0: i32, %arg1: i32, %arg2: memref<1x2048x128xf32, #tpu.memory_space<vmem>>, %arg3: memref<1x2048x256xf32, #tpu.memory_space<vmem>>, %arg4: memref<128x256xf32, #tpu.memory_space<vmem>>, %arg5: memref<1x256xf32, #tpu.memory_space<vmem>>, %arg6: memref<1x128xf32, #tpu.memory_space<vmem>>, %arg7: memref<1x128xf32, #tpu.memory_space<vmem>>, %arg8: memref<1x256xf32, #tpu.memory_space<vmem>>, %arg9: memref<1x256xf32, #tpu.memory_space<vmem>>, %arg10: memref<1x2048x256xf32, #tpu.memory_space<vmem>>) attributes {dimension_semantics = [#tpu.dimension_semantics<arbitrary>, #tpu.dimension_semantics<arbitrary>], iteration_bounds = array<i64: 2, 2>, scalar_prefetch = 0 : i64, scratch_operands = 0 : i64, tpu.core_type = #tpu.core_type<tc>, window_params = [{transform_indices = @transform_0, window_bounds = array<i64: 1, 2048, 128>}, {transform_indices = @transform_1, window_bounds = array<i64: 1, 2048, 256>}, {pipeline_mode = #tpu.pipeline_mode<synchronous>, transform_indices = @transform_2, window_bounds = array<i64: 128, 256>}, {pipeline_mode = #tpu.pipeline_mode<synchronous>, transform_indices = @transform_3, window_bounds = array<i64: 1, 256>}, {pipeline_mode = #tpu.pipeline_mode<synchronous>, transform_indices = @transform_4, window_bounds = array<i64: 1, 128>}, {pipeline_mode = #tpu.pipeline_mode<synchronous>, transform_indices = @transform_5, window_bounds = array<i64: 1, 128>}, {pipeline_mode = #tpu.pipeline_mode<synchronous>, transform_indices = @transform_6, window_bounds = array<i64: 1, 256>}, {pipeline_mode = #tpu.pipeline_mode<synchronous>, transform_indices = @transform_7, window_bounds = array<i64: 1, 256>}, {transform_indices = @transform_8, window_bounds = array<i64: 1, 2048, 256>}]} {
    %get3A = arith.constant 0 : index
    %get3A_0 = arith.constant 0 : index
    %get3A_1 = arith.constant 0 : index
    %get3A_2 = vector.load %arg2[%get3A, %get3A_0, %get3A_1] : memref<1x2048x128xf32, #tpu.memory_space<vmem>>, vector<1x2048x128xf32>
    %get3A_3 = vector.shape_cast %get3A_2 : vector<1x2048x128xf32> to vector<2048x128xf32>
    %get3A_4 = arith.constant 0 : index
    %get3A_5 = arith.constant 0 : index
    %get3A_6 = vector.load %arg6[%get3A_4, %get3A_5] : memref<1x128xf32, #tpu.memory_space<vmem>>, vector<1x128xf32>
    %mul3A = vector.broadcast %get3A_6 : vector<1x128xf32> to vector<2048x128xf32>
    %mul3A_7 = arith.mulf %get3A_3, %mul3A : vector<2048x128xf32>
    %get3A_8 = arith.constant 0 : index
    %get3A_9 = arith.constant 0 : index
    %get3A_10 = vector.load %arg7[%get3A_8, %get3A_9] : memref<1x128xf32, #tpu.memory_space<vmem>>, vector<1x128xf32>
    %add3A = vector.broadcast %get3A_10 : vector<1x128xf32> to vector<2048x128xf32>
    %add3A_11 = arith.addf %mul3A_7, %add3A : vector<2048x128xf32>
    %max3A = arith.constant 0.000000e+00 : f32
    %max3A_12 = vector.broadcast %max3A : f32 to vector<2048x128xf32>
    %max3A_13 = arith.maximumf %add3A_11, %max3A_12 : vector<2048x128xf32>
    %get3A_14 = arith.constant 0 : index
    %get3A_15 = arith.constant 0 : index
    %get3A_16 = vector.load %arg4[%get3A_14, %get3A_15] : memref<128x256xf32, #tpu.memory_space<vmem>>, vector<128x256xf32>
    %dot_general3A = arith.constant dense<0.000000e+00> : vector<2048x256xf32>
    %dot_general3A_17 = tpu.matmul %max3A_13, %get3A_16, %dot_general3A {dimension_numbers = #tpu.dot_dimension_numbers<[1], [0], [0], [1], [0, 0, 1, 1], [], []>, transpose_lhs_hint = false} : vector<2048x128xf32>, vector<128x256xf32>, vector<2048x256xf32> -> vector<2048x256xf32>
    %get3A_18 = arith.constant 0 : index
    %get3A_19 = arith.constant 0 : index
    %get3A_20 = vector.load %arg5[%get3A_18, %get3A_19] : memref<1x256xf32, #tpu.memory_space<vmem>>, vector<1x256xf32>
    %add3A_21 = vector.broadcast %get3A_20 : vector<1x256xf32> to vector<2048x256xf32>
    %add3A_22 = arith.addf %dot_general3A_17, %add3A_21 : vector<2048x256xf32>
    %get3A_23 = arith.constant 0 : index
    %get3A_24 = arith.constant 0 : index
    %get3A_25 = arith.constant 0 : index
    %get3A_26 = vector.load %arg3[%get3A_23, %get3A_24, %get3A_25] : memref<1x2048x256xf32, #tpu.memory_space<vmem>>, vector<1x2048x256xf32>
    %get3A_27 = vector.shape_cast %get3A_26 : vector<1x2048x256xf32> to vector<2048x256xf32>
    %get3A_28 = arith.constant 0 : index
    %get3A_29 = arith.constant 0 : index
    %get3A_30 = vector.load %arg8[%get3A_28, %get3A_29] : memref<1x256xf32, #tpu.memory_space<vmem>>, vector<1x256xf32>
    %mul3A_31 = vector.broadcast %get3A_30 : vector<1x256xf32> to vector<2048x256xf32>
    %mul3A_32 = arith.mulf %get3A_27, %mul3A_31 : vector<2048x256xf32>
    %add3A_33 = arith.addf %add3A_22, %mul3A_32 : vector<2048x256xf32>
    %get3A_34 = arith.constant 0 : index
    %get3A_35 = arith.constant 0 : index
    %get3A_36 = vector.load %arg9[%get3A_34, %get3A_35] : memref<1x256xf32, #tpu.memory_space<vmem>>, vector<1x256xf32>
    %add3A_37 = vector.broadcast %get3A_36 : vector<1x256xf32> to vector<2048x256xf32>
    %add3A_38 = arith.addf %add3A_33, %add3A_37 : vector<2048x256xf32>
    %ge3A = arith.constant 0.000000e+00 : f32
    %ge3A_39 = vector.broadcast %ge3A : f32 to vector<2048x256xf32>
    %ge3A_40 = arith.cmpf oge, %add3A_38, %ge3A_39 : vector<2048x256xf32>
    %mul3A_41 = arith.constant 0.00999999977 : f32
    %mul3A_42 = vector.broadcast %mul3A_41 : f32 to vector<2048x256xf32>
    %mul3A_43 = arith.mulf %mul3A_42, %add3A_38 : vector<2048x256xf32>
    %select_n3A = arith.select %ge3A_40, %add3A_38, %mul3A_43 : vector<2048x256xi1>, vector<2048x256xf32>
    %swap3A = arith.constant 0 : index
    %swap3A_44 = arith.constant 0 : index
    %swap3A_45 = arith.constant 0 : index
    %swap3A_46 = vector.load %arg10[%swap3A, %swap3A_44, %swap3A_45] : memref<1x2048x256xf32, #tpu.memory_space<vmem>>, vector<1x2048x256xf32>
    %swap3A_47 = vector.shape_cast %swap3A_46 : vector<1x2048x256xf32> to vector<2048x256xf32>
    %swap3A_48 = vector.shape_cast %select_n3A : vector<2048x256xf32> to vector<1x2048x256xf32>
    tpu.vector_store %arg10[%swap3A, %swap3A_44, %swap3A_45], %swap3A_48 {strides = array<i32>} : memref<1x2048x256xf32, #tpu.memory_space<vmem>>, vector<1x2048x256xf32>,
    return
  }
  func.func @transform_0(%arg0: i32, %arg1: i32) -> (i32, i32, i32) {
    %c0_i32 = arith.constant 0 : i32
    %c0_i32_0 = arith.constant 0 : i32
    return %arg0, %arg1, %c0_i32 : i32, i32, i32
  }
  func.func @transform_1(%arg0: i32, %arg1: i32) -> (i32, i32, i32) {
    %c0_i32 = arith.constant 0 : i32
    %c0_i32_0 = arith.constant 0 : i32
    return %arg0, %arg1, %c0_i32 : i32, i32, i32
  }
  func.func @transform_2(%arg0: i32, %arg1: i32) -> (i32, i32) {
    %c0_i32 = arith.constant 0 : i32
    %c0_i32_0 = arith.constant 0 : i32
    %c0_i32_1 = arith.constant 0 : i32
    return %c0_i32, %c0_i32_0 : i32, i32
  }
  func.func @transform_3(%arg0: i32, %arg1: i32) -> (i32, i32) {
    %c0_i32 = arith.constant 0 : i32
    %c0_i32_0 = arith.constant 0 : i32
    %c0_i32_1 = arith.constant 0 : i32
    return %c0_i32, %c0_i32_0 : i32, i32
  }
  func.func @transform_4(%arg0: i32, %arg1: i32) -> (i32, i32) {
    %c0_i32 = arith.constant 0 : i32
    %c0_i32_0 = arith.constant 0 : i32
    %c0_i32_1 = arith.constant 0 : i32
    return %c0_i32, %c0_i32_0 : i32, i32
  }
  func.func @transform_5(%arg0: i32, %arg1: i32) -> (i32, i32) {
    %c0_i32 = arith.constant 0 : i32
    %c0_i32_0 = arith.constant 0 : i32
    %c0_i32_1 = arith.constant 0 : i32
    return %c0_i32, %c0_i32_0 : i32, i32
  }
  func.func @transform_6(%arg0: i32, %arg1: i32) -> (i32, i32) {
    %c0_i32 = arith.constant 0 : i32
    %c0_i32_0 = arith.constant 0 : i32
    %c0_i32_1 = arith.constant 0 : i32
    return %c0_i32, %c0_i32_0 : i32, i32
  }
  func.func @transform_7(%arg0: i32, %arg1: i32) -> (i32, i32) {
    %c0_i32 = arith.constant 0 : i32
    %c0_i32_0 = arith.constant 0 : i32
    %c0_i32_1 = arith.constant 0 : i32
    return %c0_i32, %c0_i32_0 : i32, i32
  }
  func.func @transform_8(%arg0: i32, %arg1: i32) -> (i32, i32, i32) {
    %c0_i32 = arith.constant 0 : i32
    %c0_i32_0 = arith.constant 0 : i32
    return %arg0, %arg1, %c0_i32 : i32, i32, i32
  }
}

</mosaic_0001>

<sc_bundles>
// kernel: kernel.8.cloned.1.call-start
scs
__scs_entry_jumppad:
0x0: {  	(pc) =	sbr.rel $0x88, $3  }
0x1: {  	(tag) =	ssettag $0x0;
	lr =	simm.s32 $0x1  }
0x2: {  	[smem:$0x3F85] =	sst lr;
	_ =	strace $0xD0000000  }
0x3: {  	_ = 	snop  }
0x4: {  	_ = 	snop  }
0x5: {  	_ = 	snop  }
0x6: {  	_ = 	snop  }
0x7: {  	_ = 	snop  }
__scs_overlays_trampoline_lowered:
0x8: {  	[smem:$0x3F94] =	sst s0  }
0x9: {  	[smem:$0x3F95] =	sst s1  }
0xa: {  	[smem:$0x3F96] =	sst s2  }
0xb: {  	[smem:$0x3F97] =	sst s3  }
0xc: {  	[smem:$0x3F98] =	sst s4  }
0xd: {  	[smem:$0x3F99] =	sst s5  }
0xe: {  	[smem:$0x3F9A] =	sst s6  }
0xf: {  	[smem:$0x3F9B] =	sst s7  }
0x10: {  	[smem:$0x3F9C] =	sst s8  }
0x11: {  	[smem:$0x3F9D] =	sst s9;
	s0 =	simm.s32 @!p0 $0x0  }
0x12: {  	s1 =	sld [smem:$0x3F83];
	s0 =	simm.s32 @p0 $0x1  }
0x13: {  	[smem:$0x3F9E] =	sst s0;
	s0 =	simm.s32 @!p1 $0x0  }
0x14: {  	s2 =	sld [smem:$0x3F82];
	s0 =	simm.s32 @p1 $0x1  }
0x15: {  	[smem:$0x3F9F] =	sst s0;
	s0 =	simm.s32 @!p2 $0x0  }
0x16: {  	s3 =	sld [smem:$0x3FDB];
	s0 =	simm.s32 @p2 $0x1  }
0x17: {  	s4 =	simm.s32 $0x1BF5;
	[smem:$0x3FA1] =	sst s0  }
0x18: {  	s0 =	sld [smem:$0x3F84];
	_ =	swait.ge [sflag:s4], $0x0  }
0x19: {  	s7 =	sld [smem:$0x3F85]  }
0x1a: {  	s8 =	sadd.s32 $0xFFFFE003, lr  }
0x1b: {  	s9 =	sadd.s32 $0xFFFFFEF7, lr;
	s5 =	simm.s32 $0xFFFFFFFF;
	p2 =	slt.u32 s8, $0xFFFFF086  }
0x1c: {  	p1 =	slt.u32 s9, $0xF7A;
	s5 =	simm.s32 @!p2 $0x0  }
0x1d: {  	s5 =	simm.s32 @p1 $0x1;
	p0 =	seq.s32 s7, s2  }
0x1e: {  	s7 =	smul.u32 @!p0 $0xF7A, s2;
	p2 =	seq.s32 @!p0 s5, $0x0  }
0x1f: {  	s9 =	smul.u32 $0xF7A, s1;
	s8 =	simm.s32 @!p0 $0x1BF5;
	p2 =	por !p2, p0  }
0x20: {  	[sflag:s8] =	ssyncset.s32 @!p0 $0xFFFFF086;
	s6 =	sadd.s32 @!p0 s3, s7;
	s7 =	simm.s32 @!p0 $0x108  }
0x21: {  	s3 =	sadd.s32 s3, s9;
	s6 =	sadd.s32 @!p0 $0x88, s6;
	s7 =	simm.s32 @p2 $0x1082  }
0x22: {  	[simem:s7], [sflag:s8] =	dma.local @!p0 [hbm:s6], $0xF7A  }
0x23: {  	s9 =	sor.u32 $0xD0000000, s2;
	s6 =	simm.s32 $0x108;
	_ =	swait.ge @!p0 [sflag:s8], $0x0  }
0x24: {  	s3 =	sadd.s32 $0x88, s3;
	s6 =	simm.s32 @!p1 $0x1082;
	[sflag:s4] =	ssyncset.s32 $0xFFFFF086  }
0x25: {  	[simem:s6], [sflag:s4] =	dma.local [hbm:s3], $0xF7A  }
0x26: {  	[smem:$0x3F85] =	sst s1;
	(tag) =	ssettag s2;
	_ =	strace s9  }
0x27: {  	s1 =	sld [smem:$0x3F95]  }
0x28: {  	s2 =	sld [smem:$0x3F96]  }
0x29: {  	s4 =	sld [smem:$0x3F98]  }
0x2a: {  	p0 =	seq.s32 s5, $0x0;
	s5 =	sld [smem:$0x3F99]  }
0x2b: {  	s6 =	sld [smem:$0x3F9A]  }
0x2c: {  	s7 =	sld [smem:$0x3F9B]  }
0x2d: {  	s3 =	simm.s32 $0x108;
	s8 =	sld [smem:$0x3F9C]  }
0x2e: {  	s3 =	simm.s32 @!p0 $0x1082;
	s9 =	sld [smem:$0x3F9D]  }
0x2f: {  	lr =	sadd.s32 s0, s3;
	s0 =	sld [smem:$0x3F94]  }
0x30: {  	s3 =	sld [smem:$0x3F97]  }
0x31: {  	[smem:$0x3FA0] =	sst s10  }
0x32: {  	s10 =	sld [smem:$0x3F9E];
	_ =	sdelay $0x3  }
0x33: {  	p0 =	seq.s32 s10, $0x1;
	s10 =	sld [smem:$0x3FA0];
	_ =	sdelay $0x3  }
0x34: {  	[smem:$0x3FA0] =	sst s10  }
0x35: {  	s10 =	sld [smem:$0x3F9F];
	_ =	sdelay $0x3  }
0x36: {  	p1 =	seq.s32 s10, $0x1;
	s10 =	sld [smem:$0x3FA0];
	_ =	sdelay $0x3  }
0x37: {  	[smem:$0x3FA0] =	sst s10  }
0x38: {  	s10 =	sld [smem:$0x3FA1]  }
0x39: {  	_ = 	snop;
	(pc) =	sbr.ind lr, $3  }
0x3a: {  	_ = 	snop  }
0x3b: {  	_ = 	snop  }
0x3c: {  	p2 =	seq.s32 s10, $0x1;
	s10 =	sld [smem:$0x3FA0]  }
0x3d: {  	_ =	shalt  }
0x3e: {  	_ =	shalt  }
0x3f: {  	_ =	shalt  }
0x40: {  	_ =	shalt  }
0x41: {  	_ =	shalt  }
0x42: {  	_ =	shalt  }
0x43: {  	_ =	shalt  }
0x44: {  	_ =	shalt  }
0x45: {  	_ =	shalt  }
0x46: {  	_ =	shalt  }
0x47: {  	_ =	shalt  }
0x48: {  	_ =	shalt  }
0x49: {  	_ =	shalt  }
0x4a: {  	_ =	shalt  }
0x4b: {  	_ =	shalt  }
0x4c: {  	_ =	shalt  }
0x4d: {  	_ =	shalt  }
0x4e: {  	_ =	shalt  }
0x4f: {  	_ =	shalt  }
0x50: {  	_ =	shalt  }
0x51: {  	_ =	shalt  }
0x52: {  	_ =	shalt  }
0x53: {  	_ =	shalt  }
0x54: {  	_ =	shalt  }
0x55: {  	_ =	shalt  }
0x56: {  	_ =	shalt  }
0x57: {  	_ =	shalt  }
0x58: {  	_ =	shalt  }
0x59: {  	_ =	shalt  }
0x5a: {  	_ =	shalt  }
0x5b: {  	_ =	shalt  }
0x5c: {  	_ =	shalt  }
0x5d: {  	_ =	shalt  }
0x5e: {  	_ =	shalt  }
0x5f: {  	_ =	shalt  }
0x60: {  	_ =	shalt  }
0x61: {  	_ =	shalt  }
0x62: {  	_ =	shalt  }
0x63: {  	_ =	shalt  }
0x64: {  	_ =	shalt  }
0x65: {  	_ =	shalt  }
0x66: {  	_ =	shalt  }
0x67: {  	_ =	shalt  }
0x68: {  	_ =	shalt  }
0x69: {  	_ =	shalt  }
0x6a: {  	_ =	shalt  }
0x6b: {  	_ =	shalt  }
0x6c: {  	_ =	shalt  }
0x6d: {  	_ =	shalt  }
0x6e: {  	_ =	shalt  }
0x6f: {  	_ =	shalt  }
0x70: {  	_ =	shalt  }
0x71: {  	_ =	shalt  }
0x72: {  	_ =	shalt  }
0x73: {  	_ =	shalt  }
0x74: {  	_ =	shalt  }
0x75: {  	_ =	shalt  }
0x76: {  	_ =	shalt  }
0x77: {  	_ =	shalt  }
0x78: {  	_ =	shalt  }
0x79: {  	_ =	shalt  }
0x7a: {  	_ =	shalt  }
0x7b: {  	_ =	shalt  }
0x7c: {  	_ =	shalt  }
0x7d: {  	_ =	shalt  }
0x7e: {  	_ =	shalt  }
0x7f: {  	_ =	shalt  }
0x80: {  	_ =	shalt  }
0x81: {  	_ =	shalt  }
0x82: {  	_ =	shalt  }
0x83: {  	_ =	shalt  }
0x84: {  	_ =	shalt  }
0x85: {  	_ =	shalt  }
0x86: {  	_ =	shalt  }
0x87: {  	_ =	shalt  }
.Lfunc_end0:
.L_simem_size_0:
called_computation_lowered:
.L_overlay_start_0:
0x88: {  	s2 =	sld [smem:$0x3FD9]  }
0x89: {  	s3 =	sld [smem:$0x3FFE];
	_ =	sdelay $0x1  }
0x8a: {  	s1 =	srdreg.scid  }
0x8b: {  	s0 =	sand.u32 $0x1, s1  }
0x8c: {  	s17 =	sshll.u32 s0, $0xA;
	s2 =	sadd.s32 s3, s2  }
0x8d: {  	s2 =	sadd.s32 s2, s17  }
0x8e: {  	[smem:$0x3FAC] =	sst s2  }
0x8f: {  	_ = 	snop  }
0x90: {  	s2 =	sld [smem:$0x3FD0];
	(tm) =	ssettm $0x1  }
0x91: {  	s18 =	sld [smem:$0x3FFB];
	_ =	sdelay $0x3  }
0x92: {  	_ =	strace s18  }
0x93: {  	s3 =	sld [smem:$0x3FFC];
	_ =	sdelay $0x3  }
0x94: {  	_ =	strace s3  }
0x95: {  	s3 =	sld [smem:$0x3FFD];
	_ =	sdelay $0x3  }
0x96: {  	_ =	strace s3  }
0x97: {  	_ =	strace $0x8FFFFFFF  }
0x98: {  	s19 =	sld [smem:$0x3FDB];
	_ =	sdelay $0x1  }
0x99: {  	s4 =	simm.s32 $_scs_section_size  }
0x9a: {  	s5 =	simm.s32 $_size__tile_overlayer_lowered;
	s6 =	simm.s32 $_tile_overlayer_lowered  }
0x9b: {  	s22 =	simm.s32 $0x1BFF;
	s21 =	sshll.u32 s6, $0x1;
	s3 =	sadd.s32 s4, s19  }
0x9c: {  	s7 =	simm.s32 $0x0;
	s20 =	sshll.u32 s5, $0x1;
	s5 =	sadd.s32 s21, s3  }
0x9d: {  	[timem:s7], [sflag:s22] =	dma.local [hbm:s5], s20  }
0x9e: {  	_ =	swait.ge [sflag:s22], s20  }
0x9f: {  	s4 =	ssub.s32 $0x0, s20;
	[sflag:s22] =	ssyncset.done $0x0  }
0xa0: {  	[sflag:s22] =	ssyncadd.s32 s4;
	_ =	sdelay $0x1  }
0xa1: {  	s23 =	simm.s32 $0x1B8B  }
0xa2: {  	_ =	swait.ge [sflag:s23], $0x1  }
0xa3: {  	[sflag:s23] =	ssyncset.done $0x0  }
0xa4: {  	s25 =	simm.s32 $0x1B8E;
	s24 =	sld [smem:$0x3FFE];
	[sflag:s23] =	ssyncadd.s32 $0xFFFFFFFF  }
0xa5: {  	s26 =	simm.s32 $execute0_lowered;
	[smem:$0x3FD2] =	sst s25  }
0xa6: {  	s5 =	sshll.u32 s26, $0x1;
	_ =	strace $0x80000046;
	[dreg:$0x1] =	wrdreg $0xFFFFFFFF  }
0xa7: {  	s28 =	simm.s32 $_size_execute0_lowered;
	s3 =	sadd.s32 s3, s5;
	[dreg:$0x0] =	wrdreg $0x0  }
0xa8: {  	s5 =	sshll.u32 s28, $0x1;
	[dreg:$0x2] =	wrdreg s3  }
0xa9: {  	[dreg:$0x3] =	wrdreg s5  }
0xaa: {  	[dreg:$0x4] =	wrdreg $0xC0  }
0xab: {  	_ =	task [dreg:s7], $0x5FFFF  }
0xac: {  	[dreg:$0x1] =	wrdreg $0xFFFFFFFF  }
0xad: {  	[dreg:$0x0] =	wrdreg $0x60  }
0xae: {  	[dreg:$0x2] =	wrdreg s24  }
0xaf: {  	[dreg:$0x3] =	wrdreg s2  }
0xb0: {  	[dreg:$0x4] =	wrdreg $0x9  }
0xb1: {  	_ =	task.clear_ibuf [dreg:s7], $0x5FFFF;
	_ =	strace $0x90000046  }
0xb2: {  	s29 =	simm.s32 $0x9;
	_ =	strace $0x80000048  }
0xb3: {  	_ =	swait.ge [sflag:s29], $0x1  }
0xb4: {  	[sflag:s29] =	ssyncadd.s32 $0xFFFFFFFF  }
0xb5: {  	_ =	strace $0x90000048  }
0xb6: {  	_ =	sfence  }
0xb7: {  	s30 =	sld [smem:$0x0];
	_ =	sdelay $0x2  }
0xb8: {  	s31 =	sshll.u32 s1, $0xD;
	s1 =	sshrl.u32 s1, $0x2  }
0xb9: {  	s3 =	sand.u32 $0x4000, s31;
	s1 =	sadd.s32 s1, s30  }
0xba: {  	s0 =	sor.u32 s3, s0;
	s1 =	sshll.u32 s1, $0x11  }
0xbb: {  	s0 =	sor.u32 s1, s0  }
0xbc: {  	s0 =	sadd.s32 $0x8F2B, s0  }
0xbd: {  	[sflag:s0] =	ssyncadd.remote.s32 $0x1  }
0xbe: {  	_ =	sfence.sel $0xFFFF  }
0xbf: {  	[dreg:$0x0] =	wrdreg $0xFFFFFFFF;
	(pc) =	sbr.abs _section_cstart, $3  }
0xc0: {  	[dreg:$0x1] =	wrdreg $0xFFFFFFFF  }
0xc1: {  	_ =	task.clear_ibuf [dreg:s7], $0x2FFFF;
	_ =	strace $0x9FFFFFFF  }
0xc2: {  	(tm) =	ssettm $0x7FFFFFFF  }
0xc3: {  	_ =	shalt  }
tec
execute0_lowered:
.L_overlay_start_1:
0x0: {  	(tag) =	ssettag $0x1  }
0x1: {  	s4 =	rddreg [dreg:$0x0]  }
0x2: {  	s5 =	rddreg [dreg:$0x1]  }
0x3: {  	s0 =	rddreg [dreg:$0x2]  }
0x4: {  	s2 =	simm.s32 $0x0;
	s3 =	srdreg.scid;
	s1 =	stileid.u32  }
0x5: {  	[smem:$0x7FF] =	sst s2;
	s3 =	sand.u32 $0x1, s3;
	s6 =	sshll.u32 s1, $0x1  }
0x6: {  	_ =	strace $0x80000047;
	s6 =	sor.u32 s3, s6;
	s7 =	ssub.s32 $0x2, s3  }
0x7: {  	v0 =	vlaneseq.u32;
	s3 =	sadd.s32 $0x4A00, s4;
	s8 =	sshll.u32 s6, $0x9;
	s9 =	sshrl.u32 s7, $0x1  }
0x8: {  	v0 =	vmul.u32 $0x8, v0;
	s6 =	sshll.u32 s6, $0xC;
	s4 =	sadd.s32 s8, s4;
	s7 =	ssub.s32 s7, s9  }
0x9: {  	s5 =	sadd.s32 s5, s6;
	s8 =	simm.s32 $0x11000;
	s9 =	simm.s32 $0x0  }
0xa: {  	v1 =	vor.u32 $0x1, v0;
	v2 =	vor.u32 $0x2, v0;
	s4 =	sadd.s32 $0x6A00, s4;
	s6 =	smax.u32 s7, $0x1;
	s7 =	simm.s32 $0x1  }
.LBB2_1:
0xb: {  	[tilespmem:s2], [sflag:$0x1] =	stream.linear.gather [hbm4b:s3+s2], $0x10000, $0x38;
	[tilespmem:$0x19000] =	vst v63  }
0xc: {  	_ =	swait.ge [sflag:s7], $0x10000  }
0xd: {  	[sflag:s7] =	ssyncset.done $0x0  }
0xe: {  	s10 =	simm.s32 $0x10000;
	[sflag:s7] =	ssyncadd.s32 $0xFFFF0000  }
0xf: {  	[tilespmem:s10], [sflag:$0x1] =	stream.linear.gather [hbm4b:s4+s2], $0x1000, $0x38;
	[tilespmem:$0x19000] =	vst v63  }
0x10: {  	_ =	swait.ge [sflag:s7], $0x1000  }
0x11: {  	[sflag:s7] =	ssyncset.done $0x0  }
0x12: {  	[sflag:s7] =	ssyncadd.s32 $0xFFFFF000  }
0x13: {  	v3 =	vld [tilespmem:s10+$0x0];
	_ =	sdelay $0x4  }
0x14: {  	v3 =	vshll.u32 v3, $0x3;
	_ =	sdelay $0x4  }
0x15: {  	v5 =	vor.u32 s2, v0;
	v4 =	vld.idx.msk [tilespmem:v3+s2+$0x0], $0xffff  }
0x16: {  	v6 =	vor.u32 $0x1, v3;
	_ =	sdelay $0x3  }
0x17: {  	[tilespmem:v5+s8+$0x0] =	vst.idx.msk $0xffff, v4  }
0x18: {  	v5 =	vor.u32 s2, v1;
	v4 =	vld.idx.msk [tilespmem:v6+s2+$0x0], $0xffff  }
0x19: {  	v3 =	vor.u32 $0x2, v3;
	_ =	sdelay $0x3  }
0x1a: {  	[tilespmem:v5+s8+$0x0] =	vst.idx.msk $0xffff, v4  }
0x1b: {  	s11 =	simm.s32 $0x80;
	v4 =	vor.u32 s2, v2;
	v3 =	vld.idx.msk [tilespmem:v3+s2+$0x0], $0xffff  }
.LBB2_2:
0x1c: {  	_ =	sdelay $0x2  }
0x1d: {  	p0 =	sne.s32 s11, $0x7F80  }
0x1e: {  	s10 =	sadd.s32 $0x10, s10;
	s12 =	smov.u32 s11;
	s11 =	sadd.s32 $0x80, s11;
	[tilespmem:v4+s8+$0x0] =	vst.idx.msk $0xffff, v3  }
0x1f: {  	v3 =	vld [tilespmem:s10+$0x0];
	_ =	sdelay $0x4  }
0x20: {  	v3 =	vshll.u32 v3, $0x3;
	_ =	sdelay $0x4  }
0x21: {  	v4 =	vld.idx.msk [tilespmem:v3+s2+$0x0], $0xffff  }
0x22: {  	v5 =	vor.u32 s12, v0  }
0x23: {  	v6 =	vor.u32 $0x1, v3;
	_ =	sdelay $0x3  }
0x24: {  	[tilespmem:v5+s8+$0x0] =	vst.idx.msk $0xffff, v4  }
0x25: {  	v4 =	vld.idx.msk [tilespmem:v6+s2+$0x0], $0xffff  }
0x26: {  	v5 =	vor.u32 s12, v1  }
0x27: {  	v3 =	vor.u32 $0x2, v3;
	_ =	sdelay $0x1  }
.Ltmp0:
0x28: {  	(pc) =	sbr.rel @p0 .LBB2_2-.Ltmp0, $4  }
0x29: {  	_ = 	snop  }
0x2a: {  	[tilespmem:v5+s8+$0x0] =	vst.idx.msk $0xffff, v4  }
0x2b: {  	v3 =	vld.idx.msk [tilespmem:v3+s2+$0x0], $0xffff  }
0x2c: {  	v4 =	vor.u32 s12, v2  }
0x2d: {  	_ =	sdelay $0x1  }
0x2e: {  	s9 =	sadd.s32 $0x1, s9  }
0x2f: {  	p0 =	sne.s32 s9, s6  }
.Ltmp1:
0x30: {  	[tilespmem:v4+s8+$0x0] =	vst.idx.msk $0xffff, v3;
	(pc) =	sbr.rel @p0 .LBB2_1-.Ltmp1, $4  }
0x31: {  	[hbm4b:s5+s2] =	stream.linear.scatter [tilespmem:s8], [sflag:$0x1], $0x8000, $0x38;
	[tilespmem:$0x19000] =	vst v63  }
0x32: {  	_ =	swait.ge [sflag:s7], $0x8000  }
0x33: {  	[sflag:s7] =	ssyncset.done $0x0  }
0x34: {  	[sflag:s7] =	ssyncadd.s32 $0xFFFF8000  }
0x35: {  	_ =	sfence.sel $0x180000  }
0x36: {  	[bflag:$0x0] =	sbarrier.arrive $0xFFFF  }
0x37: {  	p0 =	sne.s32 s1, $0x0;
	_ =	strace $0x90000047  }
0x38: {  	s0 =	sadd.s32 @!p0 $0x100000, s0;
	[bflag:$0x2] =	sbarrier.arrive $0xFFFF  }
0x39: {  	[sflag:s0] =	ssyncadd.tile.s32 @!p0 $0x1;
	_ =	shalt  }
.Lfunc_end2:
_tile_overlayer_lowered:
.L_overlay_start_2:
0x3a: {  	(tag) =	ssettag $0x2  }
0x3b: {  	s0 =	rddreg [dreg:$0x0];
	s2 =	stileid.u32  }
0x3c: {  	s1 =	rddreg [dreg:$0x1];
	p0 =	sne.s32 s2, $0x0  }
0x3d: {  	s3 =	rddreg [dreg:$0x2];
	[bflag:$0x3] =	sbarrier.arrive $0xFFFF;
	s2 =	simm.s32 @!p0 $0x1C01  }
0x3e: {  	[timem:s3], [sflag:s2] =	dma.local @!p0 [hbm:s0], s1  }
0x3f: {  	s0 =	simm.s32 @!p0 $0x1  }
0x40: {  	_ =	swait.ge @!p0 [sflag:s0], s1  }
0x41: {  	s1 =	ssub.s32 @!p0 $0x0, s1;
	[sflag:s0] =	ssyncset.done @!p0 $0x0  }
0x42: {  	[sflag:s0] =	ssyncadd.s32 @!p0 s1  }
0x43: {  	[bflag:$0x3] =	sbarrier.arrive $0xFFFF  }
0x44: {  	_ =	shalt  }

</sc_bundles>
